<compile_context>
chip_gen: v7x
topology: tpu7x:2x2x1
jax: 0.10.2.dev20260603
libtpu: 0.0.44.dev20260713+nightly
codegen_flags: <defaults>
</compile_context>

<pallas_src>
import jax
import jax.numpy as jnp
from jax import lax
from jax.experimental import pallas as pl
from jax.experimental.pallas import tpu as pltpu
from jax.experimental.pallas import tpu_sc as plsc

N = 10000
D = 128
E = 320000
NC = 2
NS = 16
NW = NC * NS
CK = 80
EPW = E // NW
NCHUNK = EPW // CK
NP = 10240
RPT = NP // NS
ZROWS = 128
DEGP = NP
DPT = DEGP // NS
NBUF = 2
NBUFD = 4

_MESH = plsc.VectorSubcoreMesh(
    core_axis_name="c", subcore_axis_name="s", num_cores=NC, num_subcores=NS)


def _deg_body(dst_hbm, out_hbm, dvs, ones_v, zb_v, deg_sh, semds, semss):
    c = lax.axis_index("c")
    s = lax.axis_index("s")
    ebase = (c * NS + s) * EPW
    for k in range(NBUFD):
        pltpu.async_copy(dst_hbm.at[pl.ds(ebase + k * CK, CK)],
                         dvs[k], semds[k])
    ones16 = jnp.ones((16,), jnp.float32)
    zero16 = jnp.zeros((16,), jnp.float32)
    for j in range(CK // 16):
        ones_v[pl.ds(j * 16, 16)] = ones16
    def zfill(i, _):
        zb_v[pl.ds(i * 16, 16)] = zero16
        return 0
    lax.fori_loop(0, DPT // 16, zfill, 0)
    pltpu.sync_copy(zb_v, deg_sh.at[pl.ds(s * DPT, DPT)])
    plsc.subcore_barrier()

    def body(i, _):
        j0 = NBUFD * i
        for k in range(NBUFD):
            pltpu.make_async_copy(dst_hbm.at[pl.ds(0, CK)],
                                  dvs[k], semds[k]).wait()
            pltpu.async_copy(ones_v, deg_sh.at[dvs[k]], semss[k], add=True)
        for k in range(NBUFD):
            jn = j0 + NBUFD + k
            pltpu.make_async_copy(ones_v, deg_sh.at[dvs[k]],
                                  semss[k]).wait()
            @pl.when(jn < NCHUNK)
            def _():
                pltpu.async_copy(dst_hbm.at[pl.ds(ebase + jn * CK, CK)],
                                 dvs[k], semds[k])
        return 0
    lax.fori_loop(0, (NCHUNK - 1) // NBUFD, body, 0)
    pltpu.make_async_copy(dst_hbm.at[pl.ds(0, CK)], dvs[0], semds[0]).wait()
    pltpu.sync_copy(ones_v, deg_sh.at[dvs[0]], add=True)
    plsc.subcore_barrier()
    pltpu.sync_copy(deg_sh.at[pl.ds(s * DPT, DPT)],
                    out_hbm.at[pl.ds(c * DEGP + s * DPT, DPT)])


_deg_call = pl.kernel(
    _deg_body,
    out_type=jax.ShapeDtypeStruct((NC * DEGP,), jnp.float32),
    mesh=_MESH,
    scratch_types=[
        [pltpu.VMEM((CK,), jnp.int32)] * NBUFD,
        pltpu.VMEM((CK,), jnp.float32),
        pltpu.VMEM((DPT,), jnp.float32),
        pltpu.VMEM_SHARED((DEGP,), jnp.float32),
        [pltpu.SemaphoreType.DMA] * NBUFD,
        [pltpu.SemaphoreType.DMA] * NBUFD,
    ],
)


def _scatter_body(g_hbm, src_hbm, dst_hbm, out_hbm,
                  sslab_v, dvs, rowss, zb_v, s_sh,
                  semi, semds, semgs):
    c = lax.axis_index("c")
    s = lax.axis_index("s")
    w = c * NS + s
    ebase = w * EPW
    cpi1 = pltpu.async_copy(src_hbm.at[pl.ds(ebase, EPW)], sslab_v, semi)
    zero16 = jnp.zeros((16,), jnp.float32)
    def zfill(i, _):
        for j in range(D // 16):
            zb_v[i, pl.ds(j * 16, 16)] = zero16
        return 0
    lax.fori_loop(0, ZROWS, zfill, 0)
    for r in range(RPT // ZROWS):
        pltpu.sync_copy(zb_v, s_sh.at[pl.ds(s * RPT + r * ZROWS, ZROWS)])
    for k in range(NBUF):
        pltpu.async_copy(dst_hbm.at[pl.ds(ebase + k * CK, CK)],
                         dvs[k], semds[k])
    cpi1.wait()
    for k in range(NBUF):
        pltpu.async_copy(g_hbm.at[sslab_v.at[pl.ds(k * CK, CK)]],
                         rowss[k], semgs[k])
    plsc.subcore_barrier()

    def body(i, _):
        j0 = NBUF * i
        for k in range(NBUF):
            jn = j0 + NBUF + k
            pltpu.make_async_copy(g_hbm.at[sslab_v.at[pl.ds(0, CK)]],
                                  rowss[k], semgs[k]).wait()
            pltpu.make_async_copy(dst_hbm.at[pl.ds(0, CK)],
                                  dvs[k], semds[k]).wait()
            pltpu.sync_copy(rowss[k], s_sh.at[dvs[k]], add=True)
            @pl.when(jn < NCHUNK)
            def _():
                pltpu.async_copy(dst_hbm.at[pl.ds(ebase + jn * CK, CK)],
                                 dvs[k], semds[k])
                pltpu.async_copy(g_hbm.at[sslab_v.at[pl.ds(jn * CK, CK)]],
                                 rowss[k], semgs[k])
        return 0
    lax.fori_loop(0, (NCHUNK - 1) // NBUF, body, 0)
    pltpu.make_async_copy(g_hbm.at[sslab_v.at[pl.ds(0, CK)]],
                          rowss[0], semgs[0]).wait()
    pltpu.make_async_copy(dst_hbm.at[pl.ds(0, CK)], dvs[0], semds[0]).wait()
    pltpu.sync_copy(rowss[0], s_sh.at[dvs[0]], add=True)
    plsc.subcore_barrier()
    pltpu.sync_copy(s_sh.at[pl.ds(s * RPT, RPT)],
                    out_hbm.at[pl.ds(c * NP + s * RPT, RPT)])


_scatter_call = pl.kernel(
    _scatter_body,
    out_type=jax.ShapeDtypeStruct((NC * NP, D), jnp.float32),
    mesh=_MESH,
    scratch_types=[
        pltpu.VMEM((EPW,), jnp.int32),
        [pltpu.VMEM((CK,), jnp.int32)] * NBUF,
        [pltpu.VMEM((CK, D), jnp.float32)] * NBUF,
        pltpu.VMEM((ZROWS, D), jnp.float32),
        pltpu.VMEM_SHARED((NP, D), jnp.float32),
        pltpu.SemaphoreType.DMA,
        [pltpu.SemaphoreType.DMA] * NBUF,
        [pltpu.SemaphoreType.DMA] * NBUF,
    ],
)


_TB = 1000


def _tc1_body(x_ref, w_ref, o_ref):
    o_ref[...] = jnp.dot(x_ref[...], w_ref[...],
                         preferred_element_type=jnp.float32)


_tc1_call = pl.pallas_call(
    _tc1_body,
    grid=(N // _TB,),
    in_specs=[
        pl.BlockSpec((_TB, D), lambda i: (i, 0)),
        pl.BlockSpec((D, D), lambda i: (0, 0)),
    ],
    out_specs=pl.BlockSpec((_TB, D), lambda i: (i, 0)),
    out_shape=jax.ShapeDtypeStruct((N, D), jnp.float32),
)


def _tc2_body(sp_ref, g_ref, dinv_ref, b_ref, w_ref, o_ref):
    ssum = sp_ref[0] + sp_ref[1]
    h = jnp.maximum(dinv_ref[...] * (ssum + g_ref[...]) + b_ref[...], 0.0)
    o_ref[...] = jnp.dot(dinv_ref[...] * h, w_ref[...],
                         preferred_element_type=jnp.float32)


_tc2_call = pl.pallas_call(
    _tc2_body,
    grid=(N // _TB,),
    in_specs=[
        pl.BlockSpec((2, _TB, D), lambda i: (0, i, 0)),
        pl.BlockSpec((_TB, D), lambda i: (i, 0)),
        pl.BlockSpec((_TB, 1), lambda i: (i, 0)),
        pl.BlockSpec((1, D), lambda i: (0, 0)),
        pl.BlockSpec((D, D), lambda i: (0, 0)),
    ],
    out_specs=pl.BlockSpec((_TB, D), lambda i: (i, 0)),
    out_shape=jax.ShapeDtypeStruct((N, D), jnp.float32),
)


def _tc3_body(sp_ref, g_ref, dinv_ref, b_ref, o_ref):
    ssum = sp_ref[0] + sp_ref[1]
    o_ref[...] = jnp.maximum(
        dinv_ref[...] * (ssum + g_ref[...]) + b_ref[...], 0.0)


_tc3_call = pl.pallas_call(
    _tc3_body,
    grid=(N // _TB,),
    in_specs=[
        pl.BlockSpec((2, _TB, D), lambda i: (0, i, 0)),
        pl.BlockSpec((_TB, D), lambda i: (i, 0)),
        pl.BlockSpec((_TB, 1), lambda i: (i, 0)),
        pl.BlockSpec((1, D), lambda i: (0, 0)),
    ],
    out_specs=pl.BlockSpec((_TB, D), lambda i: (i, 0)),
    out_shape=jax.ShapeDtypeStruct((N, D), jnp.float32),
)


def kernel(x, edge_index, W1, b1, W2, b2):
    ei = edge_index.astype(jnp.int32)
    src = ei[0]
    dst = ei[1]

    degp = _deg_call(dst)
    u1 = _tc1_call(x, W1)
    deg = 1.0 + degp[:N] + degp[DEGP:DEGP + N]
    dinv = lax.rsqrt(deg)[:, None]
    b1r = b1[None, :]
    b2r = b2[None, :]

    g1 = dinv * u1
    s1 = _scatter_call(g1, src, dst).reshape(NC, NP, D)
    g2 = _tc2_call(s1, g1, dinv, b1r, W2)
    s2 = _scatter_call(g2, src, dst).reshape(NC, NP, D)
    return _tc3_call(s2, g2, dinv, b2r)

# --- scband reference (transcript-rebuilt; emitter-appended) ---
"""Pipeline reference for scband-graph-model-36790689857641 (READ-ONLY COPY).

The authoritative reference and input builder live on the scoring server;
editing this copy changes nothing except your own understanding.
"""

import jax, jax.numpy as jnp
import numpy as np

N_NODES = 10000
N_EDGES = 320000
D = 128


def setup_inputs(seed: int = 0) -> dict:
    key = jax.random.key(seed)
    k1, k2, k3, k4, k5, k6 = jax.random.split(key, 6)
    x = jax.random.normal(k1, (N_NODES, D), dtype=jnp.float32)
    edge_index = jax.random.randint(k2, (2, N_EDGES), 0, N_NODES, dtype=jnp.int64)
    scale = 1.0 / np.sqrt(D)
    W1 = jax.random.normal(k3, (D, D), dtype=jnp.float32) * scale
    b1 = jnp.zeros((D,), dtype=jnp.float32)
    W2 = jax.random.normal(k4, (D, D), dtype=jnp.float32) * scale
    b2 = jnp.zeros((D,), dtype=jnp.float32)
    return {"x": x, "edge_index": edge_index, "W1": W1, "b1": b1, "W2": W2, "b2": b2}


def reference(x, edge_index, W1, b1, W2, b2):
    # Two-layer GCN stack (GCNConv -> ReLU -> GCNConv -> ReLU), faithful to
    # torch_geometric GCNConv with self-loops and symmetric normalization.
    n = x.shape[0]
    loop = jnp.arange(n, dtype=edge_index.dtype)
    src = jnp.concatenate([edge_index[0], loop])
    dst = jnp.concatenate([edge_index[1], loop])
    ones = jnp.ones(src.shape[0], dtype=x.dtype)
    deg = jnp.zeros((n,), dtype=x.dtype).at[dst].add(ones)
    dinv = jnp.where(deg > 0, deg ** -0.5, 0.0)
    norm = dinv[src] * dinv[dst]

    def gcn_conv(h, W, b):
        h = h @ W
        msg = h[src] * norm[:, None]
        out = jnp.zeros_like(h).at[dst].add(msg)
        return out + b

    h = jax.nn.relu(gcn_conv(x, W1, b1))
    h = jax.nn.relu(gcn_conv(h, W2, b2))
    return h

if __name__ == "__main__":
    import jax
    _d = setup_inputs()
    print(jax.jit(kernel)(*tuple(_d.values())))

</pallas_src>

<mosaic_0001>
#map = affine_map<(d0, d1) -> (0, 0)>
#map1 = affine_map<(d0, d1) -> (0)>
module attributes {stable_mosaic.version = 14 : i64} {
  func.func @_scatter_body(%arg0: i32, %arg1: i32, %arg2: memref<10000x128xf32, #tpu.memory_space<hbm>>, %arg3: memref<320000xi32, #tpu.memory_space<hbm>>, %arg4: memref<320000xi32, #tpu.memory_space<hbm>>, %arg5: memref<20480x128xf32, #tpu.memory_space<hbm>>, %arg6: memref<10000xi32, #tpu.memory_space<vmem>>, %arg7: memref<80xi32, #tpu.memory_space<vmem>>, %arg8: memref<80xi32, #tpu.memory_space<vmem>>, %arg9: memref<80x128xf32, #tpu.memory_space<vmem>>, %arg10: memref<80x128xf32, #tpu.memory_space<vmem>>, %arg11: memref<128x128xf32, #tpu.memory_space<vmem>>, %arg12: memref<10240x128xf32, #tpu.memory_space<vmem_shared>>, %arg13: memref<!tpu.dma_semaphore, #tpu.memory_space<semaphore_mem>>, %arg14: memref<!tpu.dma_semaphore, #tpu.memory_space<semaphore_mem>>, %arg15: memref<!tpu.dma_semaphore, #tpu.memory_space<semaphore_mem>>, %arg16: memref<!tpu.dma_semaphore, #tpu.memory_space<semaphore_mem>>, %arg17: memref<!tpu.dma_semaphore, #tpu.memory_space<semaphore_mem>>) attributes {dimension_semantics = [#tpu.dimension_semantics<core_parallel>, #tpu.dimension_semantics<subcore_parallel>], iteration_bounds = array<i64: 2, 16>, scalar_prefetch = 0 : i64, scratch_operands = 12 : i64, tpu.core_type = #tpu.core_type<sc_vector_subcore>, window_params = [{transform_indices = #map}, {transform_indices = #map1}, {transform_indices = #map1}, {transform_indices = #map}]} {
    %mul3A = arith.constant 16 : i32
    %mul3A_0 = arith.muli %arg0, %mul3A : i32
    %add3A = arith.addi %mul3A_0, %arg1 : i32
    %mul3A_1 = arith.constant 10000 : i32
    %mul3A_2 = arith.muli %add3A, %mul3A_1 : i32
    %dma_start3A = tpu.memref_slice %arg3[%mul3A_2] : memref<320000xi32, #tpu.memory_space<hbm>> -> memref<10000xi32, #tpu.memory_space<hbm>>
    %dma_start3A_3 = tpu.memref_slice %arg3[%mul3A_2] : memref<320000xi32, #tpu.memory_space<hbm>> -> memref<10000xi32, #tpu.memory_space<hbm>>
    tpu.enqueue_dma source(%dma_start3A_3 : memref<10000xi32, #tpu.memory_space<hbm>>) target(%arg6 : memref<10000xi32, #tpu.memory_space<vmem>>) target_semaphore(%arg13 : memref<!tpu.dma_semaphore, #tpu.memory_space<semaphore_mem>>)
    %broadcast_in_dim3A = arith.constant 0.000000e+00 : f32
    %broadcast_in_dim3A_4 = vector.broadcast %broadcast_in_dim3A : f32 to vector<16xf32>
    %scan3A = arith.constant 0 : i32
    %scan3A_5 = arith.constant 0 : i32
    %scan3A_6 = arith.constant 128 : i32
    %scan3A_7 = arith.addi %scan3A_5, %scan3A_6 : i32
    %scan3A_8 = arith.constant 1 : i32
    %scan3A_9 = scf.for %scan3A_74 = %scan3A_5 to %scan3A_7 step %scan3A_8 iter_args(%scan3A_75 = %scan3A) -> (i32)  : i32 {
      %swap3A = arith.index_cast %scan3A_74 : i32 to index
      %swap3A_76 = arith.constant 0 : index
      %swap3A_77 = tpu.vector_load %arg11[%swap3A, %swap3A_76] {strides = array<i32>} : memref<128x128xf32, #tpu.memory_space<vmem>>, vector<1x16xf32>,
      %swap3A_78 = vector.shape_cast %swap3A_77 : vector<1x16xf32> to vector<16xf32>
      %swap3A_79 = vector.shape_cast %broadcast_in_dim3A_4 : vector<16xf32> to vector<1x16xf32>
      tpu.vector_store %arg11[%swap3A, %swap3A_76], %swap3A_79 {strides = array<i32>} : memref<128x128xf32, #tpu.memory_space<vmem>>, vector<1x16xf32>,
      %swap3A_80 = arith.index_cast %scan3A_74 : i32 to index
      %swap3A_81 = arith.constant 16 : index
      %swap3A_82 = tpu.vector_load %arg11[%swap3A_80, %swap3A_81] {strides = array<i32>} : memref<128x128xf32, #tpu.memory_space<vmem>>, vector<1x16xf32>,
      %swap3A_83 = vector.shape_cast %swap3A_82 : vector<1x16xf32> to vector<16xf32>
      %swap3A_84 = vector.shape_cast %broadcast_in_dim3A_4 : vector<16xf32> to vector<1x16xf32>
      tpu.vector_store %arg11[%swap3A_80, %swap3A_81], %swap3A_84 {strides = array<i32>} : memref<128x128xf32, #tpu.memory_space<vmem>>, vector<1x16xf32>,
      %swap3A_85 = arith.index_cast %scan3A_74 : i32 to index
      %swap3A_86 = arith.constant 32 : index
      %swap3A_87 = tpu.vector_load %arg11[%swap3A_85, %swap3A_86] {strides = array<i32>} : memref<128x128xf32, #tpu.memory_space<vmem>>, vector<1x16xf32>,
      %swap3A_88 = vector.shape_cast %swap3A_87 : vector<1x16xf32> to vector<16xf32>
      %swap3A_89 = vector.shape_cast %broadcast_in_dim3A_4 : vector<16xf32> to vector<1x16xf32>
      tpu.vector_store %arg11[%swap3A_85, %swap3A_86], %swap3A_89 {strides = array<i32>} : memref<128x128xf32, #tpu.memory_space<vmem>>, vector<1x16xf32>,
      %swap3A_90 = arith.index_cast %scan3A_74 : i32 to index
      %swap3A_91 = arith.constant 48 : index
      %swap3A_92 = tpu.vector_load %arg11[%swap3A_90, %swap3A_91] {strides = array<i32>} : memref<128x128xf32, #tpu.memory_space<vmem>>, vector<1x16xf32>,
      %swap3A_93 = vector.shape_cast %swap3A_92 : vector<1x16xf32> to vector<16xf32>
      %swap3A_94 = vector.shape_cast %broadcast_in_dim3A_4 : vector<16xf32> to vector<1x16xf32>
      tpu.vector_store %arg11[%swap3A_90, %swap3A_91], %swap3A_94 {strides = array<i32>} : memref<128x128xf32, #tpu.memory_space<vmem>>, vector<1x16xf32>,
      %swap3A_95 = arith.index_cast %scan3A_74 : i32 to index
      %swap3A_96 = arith.constant 64 : index
      %swap3A_97 = tpu.vector_load %arg11[%swap3A_95, %swap3A_96] {strides = array<i32>} : memref<128x128xf32, #tpu.memory_space<vmem>>, vector<1x16xf32>,
      %swap3A_98 = vector.shape_cast %swap3A_97 : vector<1x16xf32> to vector<16xf32>
      %swap3A_99 = vector.shape_cast %broadcast_in_dim3A_4 : vector<16xf32> to vector<1x16xf32>
      tpu.vector_store %arg11[%swap3A_95, %swap3A_96], %swap3A_99 {strides = array<i32>} : memref<128x128xf32, #tpu.memory_space<vmem>>, vector<1x16xf32>,
      %swap3A_100 = arith.index_cast %scan3A_74 : i32 to index
      %swap3A_101 = arith.constant 80 : index
      %swap3A_102 = tpu.vector_load %arg11[%swap3A_100, %swap3A_101] {strides = array<i32>} : memref<128x128xf32, #tpu.memory_space<vmem>>, vector<1x16xf32>,
      %swap3A_103 = vector.shape_cast %swap3A_102 : vector<1x16xf32> to vector<16xf32>
      %swap3A_104 = vector.shape_cast %broadcast_in_dim3A_4 : vector<16xf32> to vector<1x16xf32>
      tpu.vector_store %arg11[%swap3A_100, %swap3A_101], %swap3A_104 {strides = array<i32>} : memref<128x128xf32, #tpu.memory_space<vmem>>, vector<1x16xf32>,
      %swap3A_105 = arith.index_cast %scan3A_74 : i32 to index
      %swap3A_106 = arith.constant 96 : index
      %swap3A_107 = tpu.vector_load %arg11[%swap3A_105, %swap3A_106] {strides = array<i32>} : memref<128x128xf32, #tpu.memory_space<vmem>>, vector<1x16xf32>,
      %swap3A_108 = vector.shape_cast %swap3A_107 : vector<1x16xf32> to vector<16xf32>
      %swap3A_109 = vector.shape_cast %broadcast_in_dim3A_4 : vector<16xf32> to vector<1x16xf32>
      tpu.vector_store %arg11[%swap3A_105, %swap3A_106], %swap3A_109 {strides = array<i32>} : memref<128x128xf32, #tpu.memory_space<vmem>>, vector<1x16xf32>,
      %swap3A_110 = arith.index_cast %scan3A_74 : i32 to index
      %swap3A_111 = arith.constant 112 : index
      %swap3A_112 = tpu.vector_load %arg11[%swap3A_110, %swap3A_111] {strides = array<i32>} : memref<128x128xf32, #tpu.memory_space<vmem>>, vector<1x16xf32>,
      %swap3A_113 = vector.shape_cast %swap3A_112 : vector<1x16xf32> to vector<16xf32>
      %swap3A_114 = vector.shape_cast %broadcast_in_dim3A_4 : vector<16xf32> to vector<1x16xf32>
      tpu.vector_store %arg11[%swap3A_110, %swap3A_111], %swap3A_114 {strides = array<i32>} : memref<128x128xf32, #tpu.memory_space<vmem>>, vector<1x16xf32>,
      %scan3A_115 = arith.constant 0 : i32
      scf.yield %scan3A_115 : i32
    }
    %scan3A_10 = arith.constant 128 : i32
    %mul3A_11 = arith.constant 640 : i32
    %mul3A_12 = arith.muli %arg1, %mul3A_11 : i32
    %add3A_13 = arith.constant 0 : i32
    %add3A_14 = arith.addi %mul3A_12, %add3A_13 : i32
    "tpu.region"() ({
      %run_scoped3A = tpu.sem_alloc : memref<!tpu.dma_semaphore, #tpu.memory_space<semaphore_mem>>
      %dma_start3A_74 = arith.constant 0 : i32
      %dma_start3A_75 = tpu.memref_slice %arg12[%add3A_14, %dma_start3A_74] : memref<10240x128xf32, #tpu.memory_space<vmem_shared>> -> memref<128x128xf32, #tpu.memory_space<vmem_shared>>
      %dma_start3A_76 = arith.constant 0 : i32
      %dma_start3A_77 = tpu.memref_slice %arg12[%add3A_14, %dma_start3A_76] : memref<10240x128xf32, #tpu.memory_space<vmem_shared>> -> memref<128x128xf32, #tpu.memory_space<vmem_shared>>
      tpu.enqueue_dma source(%arg11 : memref<128x128xf32, #tpu.memory_space<vmem>>) target(%dma_start3A_77 : memref<128x128xf32, #tpu.memory_space<vmem_shared>>) target_semaphore(%run_scoped3A : memref<!tpu.dma_semaphore, #tpu.memory_space<semaphore_mem>>)
      %dma_wait3A_78 = arith.constant 0 : i32
      %dma_wait3A_79 = tpu.memref_slice %arg12[%add3A_14, %dma_wait3A_78] : memref<10240x128xf32, #tpu.memory_space<vmem_shared>> -> memref<128x128xf32, #tpu.memory_space<vmem_shared>>
      %dma_wait3A_80 = arith.constant 0 : i32
      %dma_wait3A_81 = tpu.memref_slice %arg12[%add3A_14, %dma_wait3A_80] : memref<10240x128xf32, #tpu.memory_space<vmem_shared>> -> memref<128x128xf32, #tpu.memory_space<vmem_shared>>
      tpu.wait_dma2 semaphore(%run_scoped3A : memref<!tpu.dma_semaphore, #tpu.memory_space<semaphore_mem>>) src(%arg11 : memref<128x128xf32, #tpu.memory_space<vmem>>) dst(%dma_wait3A_81 : memref<128x128xf32, #tpu.memory_space<vmem_shared>>)
      tpu.yield
    }) : () -> ()
    %mul3A_15 = arith.constant 640 : i32
    %mul3A_16 = arith.muli %arg1, %mul3A_15 : i32
    %add3A_17 = arith.constant 128 : i32
    %add3A_18 = arith.addi %mul3A_16, %add3A_17 : i32
    "tpu.region"() ({
      %run_scoped3A = tpu.sem_alloc : memref<!tpu.dma_semaphore, #tpu.memory_space<semaphore_mem>>
      %dma_start3A_74 = arith.constant 0 : i32
      %dma_start3A_75 = tpu.memref_slice %arg12[%add3A_18, %dma_start3A_74] : memref<10240x128xf32, #tpu.memory_space<vmem_shared>> -> memref<128x128xf32, #tpu.memory_space<vmem_shared>>
      %dma_start3A_76 = arith.constant 0 : i32
      %dma_start3A_77 = tpu.memref_slice %arg12[%add3A_18, %dma_start3A_76] : memref<10240x128xf32, #tpu.memory_space<vmem_shared>> -> memref<128x128xf32, #tpu.memory_space<vmem_shared>>
      tpu.enqueue_dma source(%arg11 : memref<128x128xf32, #tpu.memory_space<vmem>>) target(%dma_start3A_77 : memref<128x128xf32, #tpu.memory_space<vmem_shared>>) target_semaphore(%run_scoped3A : memref<!tpu.dma_semaphore, #tpu.memory_space<semaphore_mem>>)
      %dma_wait3A_78 = arith.constant 0 : i32
      %dma_wait3A_79 = tpu.memref_slice %arg12[%add3A_18, %dma_wait3A_78] : memref<10240x128xf32, #tpu.memory_space<vmem_shared>> -> memref<128x128xf32, #tpu.memory_space<vmem_shared>>
      %dma_wait3A_80 = arith.constant 0 : i32
      %dma_wait3A_81 = tpu.memref_slice %arg12[%add3A_18, %dma_wait3A_80] : memref<10240x128xf32, #tpu.memory_space<vmem_shared>> -> memref<128x128xf32, #tpu.memory_space<vmem_shared>>
      tpu.wait_dma2 semaphore(%run_scoped3A : memref<!tpu.dma_semaphore, #tpu.memory_space<semaphore_mem>>) src(%arg11 : memref<128x128xf32, #tpu.memory_space<vmem>>) dst(%dma_wait3A_81 : memref<128x128xf32, #tpu.memory_space<vmem_shared>>)
      tpu.yield
    }) : () -> ()
    %mul3A_19 = arith.constant 640 : i32
    %mul3A_20 = arith.muli %arg1, %mul3A_19 : i32
    %add3A_21 = arith.constant 256 : i32
    %add3A_22 = arith.addi %mul3A_20, %add3A_21 : i32
    "tpu.region"() ({
      %run_scoped3A = tpu.sem_alloc : memref<!tpu.dma_semaphore, #tpu.memory_space<semaphore_mem>>
      %dma_start3A_74 = arith.constant 0 : i32
      %dma_start3A_75 = tpu.memref_slice %arg12[%add3A_22, %dma_start3A_74] : memref<10240x128xf32, #tpu.memory_space<vmem_shared>> -> memref<128x128xf32, #tpu.memory_space<vmem_shared>>
      %dma_start3A_76 = arith.constant 0 : i32
      %dma_start3A_77 = tpu.memref_slice %arg12[%add3A_22, %dma_start3A_76] : memref<10240x128xf32, #tpu.memory_space<vmem_shared>> -> memref<128x128xf32, #tpu.memory_space<vmem_shared>>
      tpu.enqueue_dma source(%arg11 : memref<128x128xf32, #tpu.memory_space<vmem>>) target(%dma_start3A_77 : memref<128x128xf32, #tpu.memory_space<vmem_shared>>) target_semaphore(%run_scoped3A : memref<!tpu.dma_semaphore, #tpu.memory_space<semaphore_mem>>)
      %dma_wait3A_78 = arith.constant 0 : i32
      %dma_wait3A_79 = tpu.memref_slice %arg12[%add3A_22, %dma_wait3A_78] : memref<10240x128xf32, #tpu.memory_space<vmem_shared>> -> memref<128x128xf32, #tpu.memory_space<vmem_shared>>
      %dma_wait3A_80 = arith.constant 0 : i32
      %dma_wait3A_81 = tpu.memref_slice %arg12[%add3A_22, %dma_wait3A_80] : memref<10240x128xf32, #tpu.memory_space<vmem_shared>> -> memref<128x128xf32, #tpu.memory_space<vmem_shared>>
      tpu.wait_dma2 semaphore(%run_scoped3A : memref<!tpu.dma_semaphore, #tpu.memory_space<semaphore_mem>>) src(%arg11 : memref<128x128xf32, #tpu.memory_space<vmem>>) dst(%dma_wait3A_81 : memref<128x128xf32, #tpu.memory_space<vmem_shared>>)
      tpu.yield
    }) : () -> ()
    %mul3A_23 = arith.constant 640 : i32
    %mul3A_24 = arith.muli %arg1, %mul3A_23 : i32
    %add3A_25 = arith.constant 384 : i32
    %add3A_26 = arith.addi %mul3A_24, %add3A_25 : i32
    "tpu.region"() ({
      %run_scoped3A = tpu.sem_alloc : memref<!tpu.dma_semaphore, #tpu.memory_space<semaphore_mem>>
      %dma_start3A_74 = arith.constant 0 : i32
      %dma_start3A_75 = tpu.memref_slice %arg12[%add3A_26, %dma_start3A_74] : memref<10240x128xf32, #tpu.memory_space<vmem_shared>> -> memref<128x128xf32, #tpu.memory_space<vmem_shared>>
      %dma_start3A_76 = arith.constant 0 : i32
      %dma_start3A_77 = tpu.memref_slice %arg12[%add3A_26, %dma_start3A_76] : memref<10240x128xf32, #tpu.memory_space<vmem_shared>> -> memref<128x128xf32, #tpu.memory_space<vmem_shared>>
      tpu.enqueue_dma source(%arg11 : memref<128x128xf32, #tpu.memory_space<vmem>>) target(%dma_start3A_77 : memref<128x128xf32, #tpu.memory_space<vmem_shared>>) target_semaphore(%run_scoped3A : memref<!tpu.dma_semaphore, #tpu.memory_space<semaphore_mem>>)
      %dma_wait3A_78 = arith.constant 0 : i32
      %dma_wait3A_79 = tpu.memref_slice %arg12[%add3A_26, %dma_wait3A_78] : memref<10240x128xf32, #tpu.memory_space<vmem_shared>> -> memref<128x128xf32, #tpu.memory_space<vmem_shared>>
      %dma_wait3A_80 = arith.constant 0 : i32
      %dma_wait3A_81 = tpu.memref_slice %arg12[%add3A_26, %dma_wait3A_80] : memref<10240x128xf32, #tpu.memory_space<vmem_shared>> -> memref<128x128xf32, #tpu.memory_space<vmem_shared>>
      tpu.wait_dma2 semaphore(%run_scoped3A : memref<!tpu.dma_semaphore, #tpu.memory_space<semaphore_mem>>) src(%arg11 : memref<128x128xf32, #tpu.memory_space<vmem>>) dst(%dma_wait3A_81 : memref<128x128xf32, #tpu.memory_space<vmem_shared>>)
      tpu.yield
    }) : () -> ()
    %mul3A_27 = arith.constant 640 : i32
    %mul3A_28 = arith.muli %arg1, %mul3A_27 : i32
    %add3A_29 = arith.constant 512 : i32
    %add3A_30 = arith.addi %mul3A_28, %add3A_29 : i32
    "tpu.region"() ({
      %run_scoped3A = tpu.sem_alloc : memref<!tpu.dma_semaphore, #tpu.memory_space<semaphore_mem>>
      %dma_start3A_74 = arith.constant 0 : i32
      %dma_start3A_75 = tpu.memref_slice %arg12[%add3A_30, %dma_start3A_74] : memref<10240x128xf32, #tpu.memory_space<vmem_shared>> -> memref<128x128xf32, #tpu.memory_space<vmem_shared>>
      %dma_start3A_76 = arith.constant 0 : i32
      %dma_start3A_77 = tpu.memref_slice %arg12[%add3A_30, %dma_start3A_76] : memref<10240x128xf32, #tpu.memory_space<vmem_shared>> -> memref<128x128xf32, #tpu.memory_space<vmem_shared>>
      tpu.enqueue_dma source(%arg11 : memref<128x128xf32, #tpu.memory_space<vmem>>) target(%dma_start3A_77 : memref<128x128xf32, #tpu.memory_space<vmem_shared>>) target_semaphore(%run_scoped3A : memref<!tpu.dma_semaphore, #tpu.memory_space<semaphore_mem>>)
      %dma_wait3A_78 = arith.constant 0 : i32
      %dma_wait3A_79 = tpu.memref_slice %arg12[%add3A_30, %dma_wait3A_78] : memref<10240x128xf32, #tpu.memory_space<vmem_shared>> -> memref<128x128xf32, #tpu.memory_space<vmem_shared>>
      %dma_wait3A_80 = arith.constant 0 : i32
      %dma_wait3A_81 = tpu.memref_slice %arg12[%add3A_30, %dma_wait3A_80] : memref<10240x128xf32, #tpu.memory_space<vmem_shared>> -> memref<128x128xf32, #tpu.memory_space<vmem_shared>>
      tpu.wait_dma2 semaphore(%run_scoped3A : memref<!tpu.dma_semaphore, #tpu.memory_space<semaphore_mem>>) src(%arg11 : memref<128x128xf32, #tpu.memory_space<vmem>>) dst(%dma_wait3A_81 : memref<128x128xf32, #tpu.memory_space<vmem_shared>>)
      tpu.yield
    }) : () -> ()
    %add3A_31 = arith.constant 0 : i32
    %add3A_32 = arith.addi %mul3A_2, %add3A_31 : i32
    %dma_start3A_33 = tpu.memref_slice %arg4[%add3A_32] : memref<320000xi32, #tpu.memory_space<hbm>> -> memref<80xi32, #tpu.memory_space<hbm>>
    %dma_start3A_34 = tpu.memref_slice %arg4[%add3A_32] : memref<320000xi32, #tpu.memory_space<hbm>> -> memref<80xi32, #tpu.memory_space<hbm>>
    tpu.enqueue_dma source(%dma_start3A_34 : memref<80xi32, #tpu.memory_space<hbm>>) target(%arg7 : memref<80xi32, #tpu.memory_space<vmem>>) target_semaphore(%arg14 : memref<!tpu.dma_semaphore, #tpu.memory_space<semaphore_mem>>)
    %add3A_35 = arith.constant 80 : i32
    %add3A_36 = arith.addi %mul3A_2, %add3A_35 : i32
    %dma_start3A_37 = tpu.memref_slice %arg4[%add3A_36] : memref<320000xi32, #tpu.memory_space<hbm>> -> memref<80xi32, #tpu.memory_space<hbm>>
    %dma_start3A_38 = tpu.memref_slice %arg4[%add3A_36] : memref<320000xi32, #tpu.memory_space<hbm>> -> memref<80xi32, #tpu.memory_space<hbm>>
    tpu.enqueue_dma source(%dma_start3A_38 : memref<80xi32, #tpu.memory_space<hbm>>) target(%arg8 : memref<80xi32, #tpu.memory_space<vmem>>) target_semaphore(%arg15 : memref<!tpu.dma_semaphore, #tpu.memory_space<semaphore_mem>>)
    %dma_wait3A = tpu.memref_slice %arg3[%mul3A_2] : memref<320000xi32, #tpu.memory_space<hbm>> -> memref<10000xi32, #tpu.memory_space<hbm>>
    %dma_wait3A_39 = tpu.memref_slice %arg3[%mul3A_2] : memref<320000xi32, #tpu.memory_space<hbm>> -> memref<10000xi32, #tpu.memory_space<hbm>>
    tpu.wait_dma2 semaphore(%arg13 : memref<!tpu.dma_semaphore, #tpu.memory_space<semaphore_mem>>) src(%dma_wait3A_39 : memref<10000xi32, #tpu.memory_space<hbm>>) dst(%arg6 : memref<10000xi32, #tpu.memory_space<vmem>>)
    %dma_start3A_40 = arith.constant 0 : i32
    %dma_start3A_41 = tpu.memref_slice %arg6[%dma_start3A_40] : memref<10000xi32, #tpu.memory_space<vmem>> -> memref<80xi32, #tpu.memory_space<vmem>>
    %dma_start3A_42 = arith.constant 0 : i32
    %dma_start3A_43 = arith.constant 0 : i32
    %dma_start3A_44 = tpu.memref_slice %arg2[%dma_start3A_42, %dma_start3A_43] : memref<10000x128xf32, #tpu.memory_space<hbm>> -> memref<10000x128xf32, #tpu.memory_space<hbm>>
    tpu.enqueue_indirect_dma source(%dma_start3A_44 : memref<10000x128xf32, #tpu.memory_space<hbm>>) target(%arg9 : memref<80x128xf32, #tpu.memory_space<vmem>>) offsets(%dma_start3A_41 : memref<80xi32, #tpu.memory_space<vmem>>) semaphore(%arg16 : memref<!tpu.dma_semaphore, #tpu.memory_space<semaphore_mem>>)
    %dma_start3A_45 = arith.constant 80 : i32
    %dma_start3A_46 = tpu.memref_slice %arg6[%dma_start3A_45] : memref<10000xi32, #tpu.memory_space<vmem>> -> memref<80xi32, #tpu.memory_space<vmem>>
    %dma_start3A_47 = arith.constant 0 : i32
    %dma_start3A_48 = arith.constant 0 : i32
    %dma_start3A_49 = tpu.memref_slice %arg2[%dma_start3A_47, %dma_start3A_48] : memref<10000x128xf32, #tpu.memory_space<hbm>> -> memref<10000x128xf32, #tpu.memory_space<hbm>>
    tpu.enqueue_indirect_dma source(%dma_start3A_49 : memref<10000x128xf32, #tpu.memory_space<hbm>>) target(%arg10 : memref<80x128xf32, #tpu.memory_space<vmem>>) offsets(%dma_start3A_46 : memref<80xi32, #tpu.memory_space<vmem>>) semaphore(%arg17 : memref<!tpu.dma_semaphore, #tpu.memory_space<semaphore_mem>>)
    %barrier3A = arith.constant 0 : index
    tpu.barrier barrier_id(%barrier3A)
    %scan3A_50 = arith.constant 0 : i32
    %scan3A_51 = arith.constant 0 : i32
    %scan3A_52 = arith.constant 62 : i32
    %scan3A_53 = arith.addi %scan3A_51, %scan3A_52 : i32
    %scan3A_54 = arith.constant 1 : i32
    %scan3A_55 = scf.for %scan3A_74 = %scan3A_51 to %scan3A_53 step %scan3A_54 iter_args(%scan3A_75 = %scan3A_50) -> (i32)  : i32 {
      %mul3A_76 = arith.constant 2 : i32
      %mul3A_77 = arith.muli %mul3A_76, %scan3A_74 : i32
      %add3A_78 = arith.constant 2 : i32
      %add3A_79 = arith.addi %mul3A_77, %add3A_78 : i32
      %add3A_80 = arith.constant 0 : i32
      %add3A_81 = arith.addi %add3A_79, %add3A_80 : i32
      %dma_wait3A_82 = arith.constant 0 : i32
      %dma_wait3A_83 = tpu.memref_slice %arg6[%dma_wait3A_82] : memref<10000xi32, #tpu.memory_space<vmem>> -> memref<80xi32, #tpu.memory_space<vmem>>
      %dma_wait3A_84 = arith.constant 0 : i32
      %dma_wait3A_85 = arith.constant 0 : i32
      %dma_wait3A_86 = tpu.memref_slice %arg2[%dma_wait3A_84, %dma_wait3A_85] : memref<10000x128xf32, #tpu.memory_space<hbm>> -> memref<10000x128xf32, #tpu.memory_space<hbm>>
      tpu.wait_indirect_dma semaphore(%arg16 : memref<!tpu.dma_semaphore, #tpu.memory_space<semaphore_mem>>) src(%dma_wait3A_86 : memref<10000x128xf32, #tpu.memory_space<hbm>>) dst(%arg9 : memref<80x128xf32, #tpu.memory_space<vmem>>)
      %dma_wait3A_87 = arith.constant 0 : i32
      %dma_wait3A_88 = tpu.memref_slice %arg4[%dma_wait3A_87] : memref<320000xi32, #tpu.memory_space<hbm>> -> memref<80xi32, #tpu.memory_space<hbm>>
      %dma_wait3A_89 = arith.constant 0 : i32
      %dma_wait3A_90 = tpu.memref_slice %arg4[%dma_wait3A_89] : memref<320000xi32, #tpu.memory_space<hbm>> -> memref<80xi32, #tpu.memory_space<hbm>>
      tpu.wait_dma2 semaphore(%arg14 : memref<!tpu.dma_semaphore, #tpu.memory_space<semaphore_mem>>) src(%dma_wait3A_90 : memref<80xi32, #tpu.memory_space<hbm>>) dst(%arg7 : memref<80xi32, #tpu.memory_space<vmem>>)
      "tpu.region"() ({
        %run_scoped3A = tpu.sem_alloc : memref<!tpu.dma_semaphore, #tpu.memory_space<semaphore_mem>>
        %dma_start3A_112 = arith.constant 0 : i32
        %dma_start3A_113 = arith.constant 0 : i32
        %dma_start3A_114 = tpu.memref_slice %arg12[%dma_start3A_112, %dma_start3A_113] : memref<10240x128xf32, #tpu.memory_space<vmem_shared>> -> memref<10240x128xf32, #tpu.memory_space<vmem_shared>>
        tpu.enqueue_indirect_dma source(%arg9 : memref<80x128xf32, #tpu.memory_space<vmem>>) target(%dma_start3A_114 : memref<10240x128xf32, #tpu.memory_space<vmem_shared>>) offsets(%arg7 : memref<80xi32, #tpu.memory_space<vmem>>) semaphore(%run_scoped3A : memref<!tpu.dma_semaphore, #tpu.memory_space<semaphore_mem>>) {add = true}
        %dma_wait3A_115 = arith.constant 0 : i32
        %dma_wait3A_116 = arith.constant 0 : i32
        %dma_wait3A_117 = tpu.memref_slice %arg12[%dma_wait3A_115, %dma_wait3A_116] : memref<10240x128xf32, #tpu.memory_space<vmem_shared>> -> memref<10240x128xf32, #tpu.memory_space<vmem_shared>>
        tpu.wait_indirect_dma semaphore(%run_scoped3A : memref<!tpu.dma_semaphore, #tpu.memory_space<semaphore_mem>>) src(%arg9 : memref<80x128xf32, #tpu.memory_space<vmem>>) dst(%dma_wait3A_117 : memref<10240x128xf32, #tpu.memory_space<vmem_shared>>)
        tpu.yield
      }) : () -> ()
      %lt3A = arith.constant 125 : i32
      %lt3A_91 = arith.cmpi slt, %add3A_81, %lt3A : i32
      %convert_element_type3A = arith.extui %lt3A_91 : i1 to i32
      %cond3A = arith.constant 0 : i32
      %cond3A_92 = arith.cmpi ne, %convert_element_type3A, %cond3A : i32
      scf.if %cond3A_92 {
        %mul3A_112 = arith.constant 80 : i32
        %mul3A_113 = arith.muli %add3A_81, %mul3A_112 : i32
        %add3A_114 = arith.addi %mul3A_2, %mul3A_113 : i32
        %dma_start3A_115 = tpu.memref_slice %arg4[%add3A_114] : memref<320000xi32, #tpu.memory_space<hbm>> -> memref<80xi32, #tpu.memory_space<hbm>>
        %dma_start3A_116 = tpu.memref_slice %arg4[%add3A_114] : memref<320000xi32, #tpu.memory_space<hbm>> -> memref<80xi32, #tpu.memory_space<hbm>>
        tpu.enqueue_dma source(%dma_start3A_116 : memref<80xi32, #tpu.memory_space<hbm>>) target(%arg7 : memref<80xi32, #tpu.memory_space<vmem>>) target_semaphore(%arg14 : memref<!tpu.dma_semaphore, #tpu.memory_space<semaphore_mem>>)
        %mul3A_117 = arith.constant 80 : i32
        %mul3A_118 = arith.muli %add3A_81, %mul3A_117 : i32
        %dma_start3A_119 = tpu.memref_slice %arg6[%mul3A_118] : memref<10000xi32, #tpu.memory_space<vmem>> -> memref<80xi32, #tpu.memory_space<vmem>>
        %dma_start3A_120 = arith.constant 0 : i32
        %dma_start3A_121 = arith.constant 0 : i32
        %dma_start3A_122 = tpu.memref_slice %arg2[%dma_start3A_120, %dma_start3A_121] : memref<10000x128xf32, #tpu.memory_space<hbm>> -> memref<10000x128xf32, #tpu.memory_space<hbm>>
        tpu.enqueue_indirect_dma source(%dma_start3A_122 : memref<10000x128xf32, #tpu.memory_space<hbm>>) target(%arg9 : memref<80x128xf32, #tpu.memory_space<vmem>>) offsets(%dma_start3A_119 : memref<80xi32, #tpu.memory_space<vmem>>) semaphore(%arg16 : memref<!tpu.dma_semaphore, #tpu.memory_space<semaphore_mem>>)
      } else {
      }
      %add3A_93 = arith.constant 2 : i32
      %add3A_94 = arith.addi %mul3A_77, %add3A_93 : i32
      %add3A_95 = arith.constant 1 : i32
      %add3A_96 = arith.addi %add3A_94, %add3A_95 : i32
      %dma_wait3A_97 = arith.constant 0 : i32
      %dma_wait3A_98 = tpu.memref_slice %arg6[%dma_wait3A_97] : memref<10000xi32, #tpu.memory_space<vmem>> -> memref<80xi32, #tpu.memory_space<vmem>>
      %dma_wait3A_99 = arith.constant 0 : i32
      %dma_wait3A_100 = arith.constant 0 : i32
      %dma_wait3A_101 = tpu.memref_slice %arg2[%dma_wait3A_99, %dma_wait3A_100] : memref<10000x128xf32, #tpu.memory_space<hbm>> -> memref<10000x128xf32, #tpu.memory_space<hbm>>
      tpu.wait_indirect_dma semaphore(%arg17 : memref<!tpu.dma_semaphore, #tpu.memory_space<semaphore_mem>>) src(%dma_wait3A_101 : memref<10000x128xf32, #tpu.memory_space<hbm>>) dst(%arg10 : memref<80x128xf32, #tpu.memory_space<vmem>>)
      %dma_wait3A_102 = arith.constant 0 : i32
      %dma_wait3A_103 = tpu.memref_slice %arg4[%dma_wait3A_102] : memref<320000xi32, #tpu.memory_space<hbm>> -> memref<80xi32, #tpu.memory_space<hbm>>
      %dma_wait3A_104 = arith.constant 0 : i32
      %dma_wait3A_105 = tpu.memref_slice %arg4[%dma_wait3A_104] : memref<320000xi32, #tpu.memory_space<hbm>> -> memref<80xi32, #tpu.memory_space<hbm>>
      tpu.wait_dma2 semaphore(%arg15 : memref<!tpu.dma_semaphore, #tpu.memory_space<semaphore_mem>>) src(%dma_wait3A_105 : memref<80xi32, #tpu.memory_space<hbm>>) dst(%arg8 : memref<80xi32, #tpu.memory_space<vmem>>)
      "tpu.region"() ({
        %run_scoped3A = tpu.sem_alloc : memref<!tpu.dma_semaphore, #tpu.memory_space<semaphore_mem>>
        %dma_start3A_112 = arith.constant 0 : i32
        %dma_start3A_113 = arith.constant 0 : i32
        %dma_start3A_114 = tpu.memref_slice %arg12[%dma_start3A_112, %dma_start3A_113] : memref<10240x128xf32, #tpu.memory_space<vmem_shared>> -> memref<10240x128xf32, #tpu.memory_space<vmem_shared>>
        tpu.enqueue_indirect_dma source(%arg10 : memref<80x128xf32, #tpu.memory_space<vmem>>) target(%dma_start3A_114 : memref<10240x128xf32, #tpu.memory_space<vmem_shared>>) offsets(%arg8 : memref<80xi32, #tpu.memory_space<vmem>>) semaphore(%run_scoped3A : memref<!tpu.dma_semaphore, #tpu.memory_space<semaphore_mem>>) {add = true}
        %dma_wait3A_115 = arith.constant 0 : i32
        %dma_wait3A_116 = arith.constant 0 : i32
        %dma_wait3A_117 = tpu.memref_slice %arg12[%dma_wait3A_115, %dma_wait3A_116] : memref<10240x128xf32, #tpu.memory_space<vmem_shared>> -> memref<10240x128xf32, #tpu.memory_space<vmem_shared>>
        tpu.wait_indirect_dma semaphore(%run_scoped3A : memref<!tpu.dma_semaphore, #tpu.memory_space<semaphore_mem>>) src(%arg10 : memref<80x128xf32, #tpu.memory_space<vmem>>) dst(%dma_wait3A_117 : memref<10240x128xf32, #tpu.memory_space<vmem_shared>>)
        tpu.yield
      }) : () -> ()
      %lt3A_106 = arith.constant 125 : i32
      %lt3A_107 = arith.cmpi slt, %add3A_96, %lt3A_106 : i32
      %convert_element_type3A_108 = arith.extui %lt3A_107 : i1 to i32
      %cond3A_109 = arith.constant 0 : i32
      %cond3A_110 = arith.cmpi ne, %convert_element_type3A_108, %cond3A_109 : i32
      scf.if %cond3A_110 {
        %mul3A_112 = arith.constant 80 : i32
        %mul3A_113 = arith.muli %add3A_96, %mul3A_112 : i32
        %add3A_114 = arith.addi %mul3A_2, %mul3A_113 : i32
        %dma_start3A_115 = tpu.memref_slice %arg4[%add3A_114] : memref<320000xi32, #tpu.memory_space<hbm>> -> memref<80xi32, #tpu.memory_space<hbm>>
        %dma_start3A_116 = tpu.memref_slice %arg4[%add3A_114] : memref<320000xi32, #tpu.memory_space<hbm>> -> memref<80xi32, #tpu.memory_space<hbm>>
        tpu.enqueue_dma source(%dma_start3A_116 : memref<80xi32, #tpu.memory_space<hbm>>) target(%arg8 : memref<80xi32, #tpu.memory_space<vmem>>) target_semaphore(%arg15 : memref<!tpu.dma_semaphore, #tpu.memory_space<semaphore_mem>>)
        %mul3A_117 = arith.constant 80 : i32
        %mul3A_118 = arith.muli %add3A_96, %mul3A_117 : i32
        %dma_start3A_119 = tpu.memref_slice %arg6[%mul3A_118] : memref<10000xi32, #tpu.memory_space<vmem>> -> memref<80xi32, #tpu.memory_space<vmem>>
        %dma_start3A_120 = arith.constant 0 : i32
        %dma_start3A_121 = arith.constant 0 : i32
        %dma_start3A_122 = tpu.memref_slice %arg2[%dma_start3A_120, %dma_start3A_121] : memref<10000x128xf32, #tpu.memory_space<hbm>> -> memref<10000x128xf32, #tpu.memory_space<hbm>>
        tpu.enqueue_indirect_dma source(%dma_start3A_122 : memref<10000x128xf32, #tpu.memory_space<hbm>>) target(%arg10 : memref<80x128xf32, #tpu.memory_space<vmem>>) offsets(%dma_start3A_119 : memref<80xi32, #tpu.memory_space<vmem>>) semaphore(%arg17 : memref<!tpu.dma_semaphore, #tpu.memory_space<semaphore_mem>>)
      } else {
      }
      %scan3A_111 = arith.constant 0 : i32
      scf.yield %scan3A_111 : i32
    }
    %scan3A_56 = arith.constant 62 : i32
    %dma_wait3A_57 = arith.constant 0 : i32
    %dma_wait3A_58 = tpu.memref_slice %arg6[%dma_wait3A_57] : memref<10000xi32, #tpu.memory_space<vmem>> -> memref<80xi32, #tpu.memory_space<vmem>>
    %dma_wait3A_59 = arith.constant 0 : i32
    %dma_wait3A_60 = arith.constant 0 : i32
    %dma_wait3A_61 = tpu.memref_slice %arg2[%dma_wait3A_59, %dma_wait3A_60] : memref<10000x128xf32, #tpu.memory_space<hbm>> -> memref<10000x128xf32, #tpu.memory_space<hbm>>
    tpu.wait_indirect_dma semaphore(%arg16 : memref<!tpu.dma_semaphore, #tpu.memory_space<semaphore_mem>>) src(%dma_wait3A_61 : memref<10000x128xf32, #tpu.memory_space<hbm>>) dst(%arg9 : memref<80x128xf32, #tpu.memory_space<vmem>>)
    %dma_wait3A_62 = arith.constant 0 : i32
    %dma_wait3A_63 = tpu.memref_slice %arg4[%dma_wait3A_62] : memref<320000xi32, #tpu.memory_space<hbm>> -> memref<80xi32, #tpu.memory_space<hbm>>
    %dma_wait3A_64 = arith.constant 0 : i32
    %dma_wait3A_65 = tpu.memref_slice %arg4[%dma_wait3A_64] : memref<320000xi32, #tpu.memory_space<hbm>> -> memref<80xi32, #tpu.memory_space<hbm>>
    tpu.wait_dma2 semaphore(%arg14 : memref<!tpu.dma_semaphore, #tpu.memory_space<semaphore_mem>>) src(%dma_wait3A_65 : memref<80xi32, #tpu.memory_space<hbm>>) dst(%arg7 : memref<80xi32, #tpu.memory_space<vmem>>)
    "tpu.region"() ({
      %run_scoped3A = tpu.sem_alloc : memref<!tpu.dma_semaphore, #tpu.memory_space<semaphore_mem>>
      %dma_start3A_74 = arith.constant 0 : i32
      %dma_start3A_75 = arith.constant 0 : i32
      %dma_start3A_76 = tpu.memref_slice %arg12[%dma_start3A_74, %dma_start3A_75] : memref<10240x128xf32, #tpu.memory_space<vmem_shared>> -> memref<10240x128xf32, #tpu.memory_space<vmem_shared>>
      tpu.enqueue_indirect_dma source(%arg9 : memref<80x128xf32, #tpu.memory_space<vmem>>) target(%dma_start3A_76 : memref<10240x128xf32, #tpu.memory_space<vmem_shared>>) offsets(%arg7 : memref<80xi32, #tpu.memory_space<vmem>>) semaphore(%run_scoped3A : memref<!tpu.dma_semaphore, #tpu.memory_space<semaphore_mem>>) {add = true}
      %dma_wait3A_77 = arith.constant 0 : i32
      %dma_wait3A_78 = arith.constant 0 : i32
      %dma_wait3A_79 = tpu.memref_slice %arg12[%dma_wait3A_77, %dma_wait3A_78] : memref<10240x128xf32, #tpu.memory_space<vmem_shared>> -> memref<10240x128xf32, #tpu.memory_space<vmem_shared>>
      tpu.wait_indirect_dma semaphore(%run_scoped3A : memref<!tpu.dma_semaphore, #tpu.memory_space<semaphore_mem>>) src(%arg9 : memref<80x128xf32, #tpu.memory_space<vmem>>) dst(%dma_wait3A_79 : memref<10240x128xf32, #tpu.memory_space<vmem_shared>>)
      tpu.yield
    }) : () -> ()
    %barrier3A_66 = arith.constant 0 : index
    tpu.barrier barrier_id(%barrier3A_66)
    %mul3A_67 = arith.constant 640 : i32
    %mul3A_68 = arith.muli %arg1, %mul3A_67 : i32
    %mul3A_69 = arith.constant 10240 : i32
    %mul3A_70 = arith.muli %arg0, %mul3A_69 : i32
    %mul3A_71 = arith.constant 640 : i32
    %mul3A_72 = arith.muli %arg1, %mul3A_71 : i32
    %add3A_73 = arith.addi %mul3A_70, %mul3A_72 : i32
    "tpu.region"() ({
      %run_scoped3A = tpu.sem_alloc : memref<!tpu.dma_semaphore, #tpu.memory_space<semaphore_mem>>
      %dma_start3A_74 = arith.constant 0 : i32
      %dma_start3A_75 = tpu.memref_slice %arg5[%add3A_73, %dma_start3A_74] : memref<20480x128xf32, #tpu.memory_space<hbm>> -> memref<640x128xf32, #tpu.memory_space<hbm>>
      %dma_start3A_76 = arith.constant 0 : i32
      %dma_start3A_77 = tpu.memref_slice %arg12[%mul3A_68, %dma_start3A_76] : memref<10240x128xf32, #tpu.memory_space<vmem_shared>> -> memref<640x128xf32, #tpu.memory_space<vmem_shared>>
      tpu.enqueue_dma source(%dma_start3A_77 : memref<640x128xf32, #tpu.memory_space<vmem_shared>>) target(%dma_start3A_75 : memref<640x128xf32, #tpu.memory_space<hbm>>) target_semaphore(%run_scoped3A : memref<!tpu.dma_semaphore, #tpu.memory_space<semaphore_mem>>)
      %dma_wait3A_78 = arith.constant 0 : i32
      %dma_wait3A_79 = tpu.memref_slice %arg5[%add3A_73, %dma_wait3A_78] : memref<20480x128xf32, #tpu.memory_space<hbm>> -> memref<640x128xf32, #tpu.memory_space<hbm>>
      %dma_wait3A_80 = arith.constant 0 : i32
      %dma_wait3A_81 = tpu.memref_slice %arg12[%mul3A_68, %dma_wait3A_80] : memref<10240x128xf32, #tpu.memory_space<vmem_shared>> -> memref<640x128xf32, #tpu.memory_space<vmem_shared>>
      tpu.wait_dma2 semaphore(%run_scoped3A : memref<!tpu.dma_semaphore, #tpu.memory_space<semaphore_mem>>) src(%dma_wait3A_81 : memref<640x128xf32, #tpu.memory_space<vmem_shared>>) dst(%dma_wait3A_79 : memref<640x128xf32, #tpu.memory_space<hbm>>)
      tpu.yield
    }) : () -> ()
    return
  }
}

#map = affine_map<(d0, d1) -> (0)>
module attributes {stable_mosaic.version = 14 : i64} {
  func.func @_deg_body(%arg0: i32, %arg1: i32, %arg2: memref<320000xi32, #tpu.memory_space<hbm>>, %arg3: memref<20480xf32, #tpu.memory_space<hbm>>, %arg4: memref<80xi32, #tpu.memory_space<vmem>>, %arg5: memref<80xi32, #tpu.memory_space<vmem>>, %arg6: memref<80xi32, #tpu.memory_space<vmem>>, %arg7: memref<80xi32, #tpu.memory_space<vmem>>, %arg8: memref<80xf32, #tpu.memory_space<vmem>>, %arg9: memref<640xf32, #tpu.memory_space<vmem>>, %arg10: memref<10240xf32, #tpu.memory_space<vmem_shared>>, %arg11: memref<!tpu.dma_semaphore, #tpu.memory_space<semaphore_mem>>, %arg12: memref<!tpu.dma_semaphore, #tpu.memory_space<semaphore_mem>>, %arg13: memref<!tpu.dma_semaphore, #tpu.memory_space<semaphore_mem>>, %arg14: memref<!tpu.dma_semaphore, #tpu.memory_space<semaphore_mem>>, %arg15: memref<!tpu.dma_semaphore, #tpu.memory_space<semaphore_mem>>, %arg16: memref<!tpu.dma_semaphore, #tpu.memory_space<semaphore_mem>>, %arg17: memref<!tpu.dma_semaphore, #tpu.memory_space<semaphore_mem>>, %arg18: memref<!tpu.dma_semaphore, #tpu.memory_space<semaphore_mem>>) attributes {dimension_semantics = [#tpu.dimension_semantics<core_parallel>, #tpu.dimension_semantics<subcore_parallel>], iteration_bounds = array<i64: 2, 16>, scalar_prefetch = 0 : i64, scratch_operands = 15 : i64, tpu.core_type = #tpu.core_type<sc_vector_subcore>, window_params = [{transform_indices = #map}, {transform_indices = #map}]} {
    %mul3A = arith.constant 16 : i32
    %mul3A_0 = arith.muli %arg0, %mul3A : i32
    %add3A = arith.addi %mul3A_0, %arg1 : i32
    %mul3A_1 = arith.constant 10000 : i32
    %mul3A_2 = arith.muli %add3A, %mul3A_1 : i32
    %add3A_3 = arith.constant 0 : i32
    %add3A_4 = arith.addi %mul3A_2, %add3A_3 : i32
    %dma_start3A = tpu.memref_slice %arg2[%add3A_4] : memref<320000xi32, #tpu.memory_space<hbm>> -> memref<80xi32, #tpu.memory_space<hbm>>
    %dma_start3A_5 = tpu.memref_slice %arg2[%add3A_4] : memref<320000xi32, #tpu.memory_space<hbm>> -> memref<80xi32, #tpu.memory_space<hbm>>
    tpu.enqueue_dma source(%dma_start3A_5 : memref<80xi32, #tpu.memory_space<hbm>>) target(%arg4 : memref<80xi32, #tpu.memory_space<vmem>>) target_semaphore(%arg11 : memref<!tpu.dma_semaphore, #tpu.memory_space<semaphore_mem>>)
    %add3A_6 = arith.constant 80 : i32
    %add3A_7 = arith.addi %mul3A_2, %add3A_6 : i32
    %dma_start3A_8 = tpu.memref_slice %arg2[%add3A_7] : memref<320000xi32, #tpu.memory_space<hbm>> -> memref<80xi32, #tpu.memory_space<hbm>>
    %dma_start3A_9 = tpu.memref_slice %arg2[%add3A_7] : memref<320000xi32, #tpu.memory_space<hbm>> -> memref<80xi32, #tpu.memory_space<hbm>>
    tpu.enqueue_dma source(%dma_start3A_9 : memref<80xi32, #tpu.memory_space<hbm>>) target(%arg5 : memref<80xi32, #tpu.memory_space<vmem>>) target_semaphore(%arg12 : memref<!tpu.dma_semaphore, #tpu.memory_space<semaphore_mem>>)
    %add3A_10 = arith.constant 160 : i32
    %add3A_11 = arith.addi %mul3A_2, %add3A_10 : i32
    %dma_start3A_12 = tpu.memref_slice %arg2[%add3A_11] : memref<320000xi32, #tpu.memory_space<hbm>> -> memref<80xi32, #tpu.memory_space<hbm>>
    %dma_start3A_13 = tpu.memref_slice %arg2[%add3A_11] : memref<320000xi32, #tpu.memory_space<hbm>> -> memref<80xi32, #tpu.memory_space<hbm>>
    tpu.enqueue_dma source(%dma_start3A_13 : memref<80xi32, #tpu.memory_space<hbm>>) target(%arg6 : memref<80xi32, #tpu.memory_space<vmem>>) target_semaphore(%arg13 : memref<!tpu.dma_semaphore, #tpu.memory_space<semaphore_mem>>)
    %add3A_14 = arith.constant 240 : i32
    %add3A_15 = arith.addi %mul3A_2, %add3A_14 : i32
    %dma_start3A_16 = tpu.memref_slice %arg2[%add3A_15] : memref<320000xi32, #tpu.memory_space<hbm>> -> memref<80xi32, #tpu.memory_space<hbm>>
    %dma_start3A_17 = tpu.memref_slice %arg2[%add3A_15] : memref<320000xi32, #tpu.memory_space<hbm>> -> memref<80xi32, #tpu.memory_space<hbm>>
    tpu.enqueue_dma source(%dma_start3A_17 : memref<80xi32, #tpu.memory_space<hbm>>) target(%arg7 : memref<80xi32, #tpu.memory_space<vmem>>) target_semaphore(%arg14 : memref<!tpu.dma_semaphore, #tpu.memory_space<semaphore_mem>>)
    %broadcast_in_dim3A = arith.constant 1.000000e+00 : f32
    %broadcast_in_dim3A_18 = vector.broadcast %broadcast_in_dim3A : f32 to vector<16xf32>
    %broadcast_in_dim3A_19 = arith.constant 0.000000e+00 : f32
    %broadcast_in_dim3A_20 = vector.broadcast %broadcast_in_dim3A_19 : f32 to vector<16xf32>
    %swap3A = arith.constant 0 : index
    %swap3A_21 = tpu.vector_load %arg8[%swap3A] {strides = array<i32>} : memref<80xf32, #tpu.memory_space<vmem>>, vector<16xf32>,
    %swap3A_22 = vector.shape_cast %swap3A_21 : vector<16xf32> to vector<16xf32>
    %swap3A_23 = vector.shape_cast %broadcast_in_dim3A_18 : vector<16xf32> to vector<16xf32>
    tpu.vector_store %arg8[%swap3A], %swap3A_23 {strides = array<i32>} : memref<80xf32, #tpu.memory_space<vmem>>, vector<16xf32>,
    %swap3A_24 = arith.constant 16 : index
    %swap3A_25 = tpu.vector_load %arg8[%swap3A_24] {strides = array<i32>} : memref<80xf32, #tpu.memory_space<vmem>>, vector<16xf32>,
    %swap3A_26 = vector.shape_cast %swap3A_25 : vector<16xf32> to vector<16xf32>
    %swap3A_27 = vector.shape_cast %broadcast_in_dim3A_18 : vector<16xf32> to vector<16xf32>
    tpu.vector_store %arg8[%swap3A_24], %swap3A_27 {strides = array<i32>} : memref<80xf32, #tpu.memory_space<vmem>>, vector<16xf32>,
    %swap3A_28 = arith.constant 32 : index
    %swap3A_29 = tpu.vector_load %arg8[%swap3A_28] {strides = array<i32>} : memref<80xf32, #tpu.memory_space<vmem>>, vector<16xf32>,
    %swap3A_30 = vector.shape_cast %swap3A_29 : vector<16xf32> to vector<16xf32>
    %swap3A_31 = vector.shape_cast %broadcast_in_dim3A_18 : vector<16xf32> to vector<16xf32>
    tpu.vector_store %arg8[%swap3A_28], %swap3A_31 {strides = array<i32>} : memref<80xf32, #tpu.memory_space<vmem>>, vector<16xf32>,
    %swap3A_32 = arith.constant 48 : index
    %swap3A_33 = tpu.vector_load %arg8[%swap3A_32] {strides = array<i32>} : memref<80xf32, #tpu.memory_space<vmem>>, vector<16xf32>,
    %swap3A_34 = vector.shape_cast %swap3A_33 : vector<16xf32> to vector<16xf32>
    %swap3A_35 = vector.shape_cast %broadcast_in_dim3A_18 : vector<16xf32> to vector<16xf32>
    tpu.vector_store %arg8[%swap3A_32], %swap3A_35 {strides = array<i32>} : memref<80xf32, #tpu.memory_space<vmem>>, vector<16xf32>,
    %swap3A_36 = arith.constant 64 : index
    %swap3A_37 = tpu.vector_load %arg8[%swap3A_36] {strides = array<i32>} : memref<80xf32, #tpu.memory_space<vmem>>, vector<16xf32>,
    %swap3A_38 = vector.shape_cast %swap3A_37 : vector<16xf32> to vector<16xf32>
    %swap3A_39 = vector.shape_cast %broadcast_in_dim3A_18 : vector<16xf32> to vector<16xf32>
    tpu.vector_store %arg8[%swap3A_36], %swap3A_39 {strides = array<i32>} : memref<80xf32, #tpu.memory_space<vmem>>, vector<16xf32>,
    %scan3A = arith.constant 0 : i32
    %scan3A_40 = arith.constant 0 : i32
    %scan3A_41 = arith.constant 40 : i32
    %scan3A_42 = arith.addi %scan3A_40, %scan3A_41 : i32
    %scan3A_43 = arith.constant 1 : i32
    %scan3A_44 = scf.for %scan3A_66 = %scan3A_40 to %scan3A_42 step %scan3A_43 iter_args(%scan3A_67 = %scan3A) -> (i32)  : i32 {
      %mul3A_68 = arith.constant 16 : i32
      %mul3A_69 = arith.muli %scan3A_66, %mul3A_68 : i32
      %swap3A_70 = arith.index_cast %mul3A_69 : i32 to index
      %swap3A_71 = tpu.vector_load %arg9[%swap3A_70] {strides = array<i32>} : memref<640xf32, #tpu.memory_space<vmem>>, vector<16xf32>,
      %swap3A_72 = vector.shape_cast %swap3A_71 : vector<16xf32> to vector<16xf32>
      %swap3A_73 = vector.shape_cast %broadcast_in_dim3A_20 : vector<16xf32> to vector<16xf32>
      tpu.vector_store %arg9[%swap3A_70], %swap3A_73 {strides = array<i32>} : memref<640xf32, #tpu.memory_space<vmem>>, vector<16xf32>,
      %scan3A_74 = arith.constant 0 : i32
      scf.yield %scan3A_74 : i32
    }
    %scan3A_45 = arith.constant 40 : i32
    %mul3A_46 = arith.constant 640 : i32
    %mul3A_47 = arith.muli %arg1, %mul3A_46 : i32
    "tpu.region"() ({
      %run_scoped3A = tpu.sem_alloc : memref<!tpu.dma_semaphore, #tpu.memory_space<semaphore_mem>>
      %dma_start3A_66 = tpu.memref_slice %arg10[%mul3A_47] : memref<10240xf32, #tpu.memory_space<vmem_shared>> -> memref<640xf32, #tpu.memory_space<vmem_shared>>
      %dma_start3A_67 = tpu.memref_slice %arg10[%mul3A_47] : memref<10240xf32, #tpu.memory_space<vmem_shared>> -> memref<640xf32, #tpu.memory_space<vmem_shared>>
      tpu.enqueue_dma source(%arg9 : memref<640xf32, #tpu.memory_space<vmem>>) target(%dma_start3A_67 : memref<640xf32, #tpu.memory_space<vmem_shared>>) target_semaphore(%run_scoped3A : memref<!tpu.dma_semaphore, #tpu.memory_space<semaphore_mem>>)
      %dma_wait3A_68 = tpu.memref_slice %arg10[%mul3A_47] : memref<10240xf32, #tpu.memory_space<vmem_shared>> -> memref<640xf32, #tpu.memory_space<vmem_shared>>
      %dma_wait3A_69 = tpu.memref_slice %arg10[%mul3A_47] : memref<10240xf32, #tpu.memory_space<vmem_shared>> -> memref<640xf32, #tpu.memory_space<vmem_shared>>
      tpu.wait_dma2 semaphore(%run_scoped3A : memref<!tpu.dma_semaphore, #tpu.memory_space<semaphore_mem>>) src(%arg9 : memref<640xf32, #tpu.memory_space<vmem>>) dst(%dma_wait3A_69 : memref<640xf32, #tpu.memory_space<vmem_shared>>)
      tpu.yield
    }) : () -> ()
    %barrier3A = arith.constant 0 : index
    tpu.barrier barrier_id(%barrier3A)
    %scan3A_48 = arith.constant 0 : i32
    %scan3A_49 = arith.constant 0 : i32
    %scan3A_50 = arith.constant 31 : i32
    %scan3A_51 = arith.addi %scan3A_49, %scan3A_50 : i32
    %scan3A_52 = arith.constant 1 : i32
    %scan3A_53 = scf.for %scan3A_66 = %scan3A_49 to %scan3A_51 step %scan3A_52 iter_args(%scan3A_67 = %scan3A_48) -> (i32)  : i32 {
      %mul3A_68 = arith.constant 4 : i32
      %mul3A_69 = arith.muli %mul3A_68, %scan3A_66 : i32
      %dma_wait3A_70 = arith.constant 0 : i32
      %dma_wait3A_71 = tpu.memref_slice %arg2[%dma_wait3A_70] : memref<320000xi32, #tpu.memory_space<hbm>> -> memref<80xi32, #tpu.memory_space<hbm>>
      %dma_wait3A_72 = arith.constant 0 : i32
      %dma_wait3A_73 = tpu.memref_slice %arg2[%dma_wait3A_72] : memref<320000xi32, #tpu.memory_space<hbm>> -> memref<80xi32, #tpu.memory_space<hbm>>
      tpu.wait_dma2 semaphore(%arg11 : memref<!tpu.dma_semaphore, #tpu.memory_space<semaphore_mem>>) src(%dma_wait3A_73 : memref<80xi32, #tpu.memory_space<hbm>>) dst(%arg4 : memref<80xi32, #tpu.memory_space<vmem>>)
      %dma_start3A_74 = arith.constant 0 : i32
      %dma_start3A_75 = tpu.memref_slice %arg10[%dma_start3A_74] : memref<10240xf32, #tpu.memory_space<vmem_shared>> -> memref<10240xf32, #tpu.memory_space<vmem_shared>>
      tpu.enqueue_indirect_dma source(%arg8 : memref<80xf32, #tpu.memory_space<vmem>>) target(%dma_start3A_75 : memref<10240xf32, #tpu.memory_space<vmem_shared>>) offsets(%arg4 : memref<80xi32, #tpu.memory_space<vmem>>) semaphore(%arg15 : memref<!tpu.dma_semaphore, #tpu.memory_space<semaphore_mem>>) {add = true}
      %dma_wait3A_76 = arith.constant 0 : i32
      %dma_wait3A_77 = tpu.memref_slice %arg2[%dma_wait3A_76] : memref<320000xi32, #tpu.memory_space<hbm>> -> memref<80xi32, #tpu.memory_space<hbm>>
      %dma_wait3A_78 = arith.constant 0 : i32
      %dma_wait3A_79 = tpu.memref_slice %arg2[%dma_wait3A_78] : memref<320000xi32, #tpu.memory_space<hbm>> -> memref<80xi32, #tpu.memory_space<hbm>>
      tpu.wait_dma2 semaphore(%arg12 : memref<!tpu.dma_semaphore, #tpu.memory_space<semaphore_mem>>) src(%dma_wait3A_79 : memref<80xi32, #tpu.memory_space<hbm>>) dst(%arg5 : memref<80xi32, #tpu.memory_space<vmem>>)
      %dma_start3A_80 = arith.constant 0 : i32
      %dma_start3A_81 = tpu.memref_slice %arg10[%dma_start3A_80] : memref<10240xf32, #tpu.memory_space<vmem_shared>> -> memref<10240xf32, #tpu.memory_space<vmem_shared>>
      tpu.enqueue_indirect_dma source(%arg8 : memref<80xf32, #tpu.memory_space<vmem>>) target(%dma_start3A_81 : memref<10240xf32, #tpu.memory_space<vmem_shared>>) offsets(%arg5 : memref<80xi32, #tpu.memory_space<vmem>>) semaphore(%arg16 : memref<!tpu.dma_semaphore, #tpu.memory_space<semaphore_mem>>) {add = true}
      %dma_wait3A_82 = arith.constant 0 : i32
      %dma_wait3A_83 = tpu.memref_slice %arg2[%dma_wait3A_82] : memref<320000xi32, #tpu.memory_space<hbm>> -> memref<80xi32, #tpu.memory_space<hbm>>
      %dma_wait3A_84 = arith.constant 0 : i32
      %dma_wait3A_85 = tpu.memref_slice %arg2[%dma_wait3A_84] : memref<320000xi32, #tpu.memory_space<hbm>> -> memref<80xi32, #tpu.memory_space<hbm>>
      tpu.wait_dma2 semaphore(%arg13 : memref<!tpu.dma_semaphore, #tpu.memory_space<semaphore_mem>>) src(%dma_wait3A_85 : memref<80xi32, #tpu.memory_space<hbm>>) dst(%arg6 : memref<80xi32, #tpu.memory_space<vmem>>)
      %dma_start3A_86 = arith.constant 0 : i32
      %dma_start3A_87 = tpu.memref_slice %arg10[%dma_start3A_86] : memref<10240xf32, #tpu.memory_space<vmem_shared>> -> memref<10240xf32, #tpu.memory_space<vmem_shared>>
      tpu.enqueue_indirect_dma source(%arg8 : memref<80xf32, #tpu.memory_space<vmem>>) target(%dma_start3A_87 : memref<10240xf32, #tpu.memory_space<vmem_shared>>) offsets(%arg6 : memref<80xi32, #tpu.memory_space<vmem>>) semaphore(%arg17 : memref<!tpu.dma_semaphore, #tpu.memory_space<semaphore_mem>>) {add = true}
      %dma_wait3A_88 = arith.constant 0 : i32
      %dma_wait3A_89 = tpu.memref_slice %arg2[%dma_wait3A_88] : memref<320000xi32, #tpu.memory_space<hbm>> -> memref<80xi32, #tpu.memory_space<hbm>>
      %dma_wait3A_90 = arith.constant 0 : i32
      %dma_wait3A_91 = tpu.memref_slice %arg2[%dma_wait3A_90] : memref<320000xi32, #tpu.memory_space<hbm>> -> memref<80xi32, #tpu.memory_space<hbm>>
      tpu.wait_dma2 semaphore(%arg14 : memref<!tpu.dma_semaphore, #tpu.memory_space<semaphore_mem>>) src(%dma_wait3A_91 : memref<80xi32, #tpu.memory_space<hbm>>) dst(%arg7 : memref<80xi32, #tpu.memory_space<vmem>>)
      %dma_start3A_92 = arith.constant 0 : i32
      %dma_start3A_93 = tpu.memref_slice %arg10[%dma_start3A_92] : memref<10240xf32, #tpu.memory_space<vmem_shared>> -> memref<10240xf32, #tpu.memory_space<vmem_shared>>
      tpu.enqueue_indirect_dma source(%arg8 : memref<80xf32, #tpu.memory_space<vmem>>) target(%dma_start3A_93 : memref<10240xf32, #tpu.memory_space<vmem_shared>>) offsets(%arg7 : memref<80xi32, #tpu.memory_space<vmem>>) semaphore(%arg18 : memref<!tpu.dma_semaphore, #tpu.memory_space<semaphore_mem>>) {add = true}
      %add3A_94 = arith.constant 4 : i32
      %add3A_95 = arith.addi %mul3A_69, %add3A_94 : i32
      %add3A_96 = arith.constant 0 : i32
      %add3A_97 = arith.addi %add3A_95, %add3A_96 : i32
      %dma_wait3A_98 = arith.constant 0 : i32
      %dma_wait3A_99 = tpu.memref_slice %arg10[%dma_wait3A_98] : memref<10240xf32, #tpu.memory_space<vmem_shared>> -> memref<10240xf32, #tpu.memory_space<vmem_shared>>
      tpu.wait_indirect_dma semaphore(%arg15 : memref<!tpu.dma_semaphore, #tpu.memory_space<semaphore_mem>>) src(%arg8 : memref<80xf32, #tpu.memory_space<vmem>>) dst(%dma_wait3A_99 : memref<10240xf32, #tpu.memory_space<vmem_shared>>)
      %lt3A = arith.constant 125 : i32
      %lt3A_100 = arith.cmpi slt, %add3A_97, %lt3A : i32
      %convert_element_type3A = arith.extui %lt3A_100 : i1 to i32
      %cond3A = arith.constant 0 : i32
      %cond3A_101 = arith.cmpi ne, %convert_element_type3A, %cond3A : i32
      scf.if %cond3A_101 {
        %mul3A_136 = arith.constant 80 : i32
        %mul3A_137 = arith.muli %add3A_97, %mul3A_136 : i32
        %add3A_138 = arith.addi %mul3A_2, %mul3A_137 : i32
        %dma_start3A_139 = tpu.memref_slice %arg2[%add3A_138] : memref<320000xi32, #tpu.memory_space<hbm>> -> memref<80xi32, #tpu.memory_space<hbm>>
        %dma_start3A_140 = tpu.memref_slice %arg2[%add3A_138] : memref<320000xi32, #tpu.memory_space<hbm>> -> memref<80xi32, #tpu.memory_space<hbm>>
        tpu.enqueue_dma source(%dma_start3A_140 : memref<80xi32, #tpu.memory_space<hbm>>) target(%arg4 : memref<80xi32, #tpu.memory_space<vmem>>) target_semaphore(%arg11 : memref<!tpu.dma_semaphore, #tpu.memory_space<semaphore_mem>>)
      } else {
      }
      %add3A_102 = arith.constant 4 : i32
      %add3A_103 = arith.addi %mul3A_69, %add3A_102 : i32
      %add3A_104 = arith.constant 1 : i32
      %add3A_105 = arith.addi %add3A_103, %add3A_104 : i32
      %dma_wait3A_106 = arith.constant 0 : i32
      %dma_wait3A_107 = tpu.memref_slice %arg10[%dma_wait3A_106] : memref<10240xf32, #tpu.memory_space<vmem_shared>> -> memref<10240xf32, #tpu.memory_space<vmem_shared>>
      tpu.wait_indirect_dma semaphore(%arg16 : memref<!tpu.dma_semaphore, #tpu.memory_space<semaphore_mem>>) src(%arg8 : memref<80xf32, #tpu.memory_space<vmem>>) dst(%dma_wait3A_107 : memref<10240xf32, #tpu.memory_space<vmem_shared>>)
      %lt3A_108 = arith.constant 125 : i32
      %lt3A_109 = arith.cmpi slt, %add3A_105, %lt3A_108 : i32
      %convert_element_type3A_110 = arith.extui %lt3A_109 : i1 to i32
      %cond3A_111 = arith.constant 0 : i32
      %cond3A_112 = arith.cmpi ne, %convert_element_type3A_110, %cond3A_111 : i32
      scf.if %cond3A_112 {
        %mul3A_136 = arith.constant 80 : i32
        %mul3A_137 = arith.muli %add3A_105, %mul3A_136 : i32
        %add3A_138 = arith.addi %mul3A_2, %mul3A_137 : i32
        %dma_start3A_139 = tpu.memref_slice %arg2[%add3A_138] : memref<320000xi32, #tpu.memory_space<hbm>> -> memref<80xi32, #tpu.memory_space<hbm>>
        %dma_start3A_140 = tpu.memref_slice %arg2[%add3A_138] : memref<320000xi32, #tpu.memory_space<hbm>> -> memref<80xi32, #tpu.memory_space<hbm>>
        tpu.enqueue_dma source(%dma_start3A_140 : memref<80xi32, #tpu.memory_space<hbm>>) target(%arg5 : memref<80xi32, #tpu.memory_space<vmem>>) target_semaphore(%arg12 : memref<!tpu.dma_semaphore, #tpu.memory_space<semaphore_mem>>)
      } else {
      }
      %add3A_113 = arith.constant 4 : i32
      %add3A_114 = arith.addi %mul3A_69, %add3A_113 : i32
      %add3A_115 = arith.constant 2 : i32
      %add3A_116 = arith.addi %add3A_114, %add3A_115 : i32
      %dma_wait3A_117 = arith.constant 0 : i32
      %dma_wait3A_118 = tpu.memref_slice %arg10[%dma_wait3A_117] : memref<10240xf32, #tpu.memory_space<vmem_shared>> -> memref<10240xf32, #tpu.memory_space<vmem_shared>>
      tpu.wait_indirect_dma semaphore(%arg17 : memref<!tpu.dma_semaphore, #tpu.memory_space<semaphore_mem>>) src(%arg8 : memref<80xf32, #tpu.memory_space<vmem>>) dst(%dma_wait3A_118 : memref<10240xf32, #tpu.memory_space<vmem_shared>>)
      %lt3A_119 = arith.constant 125 : i32
      %lt3A_120 = arith.cmpi slt, %add3A_116, %lt3A_119 : i32
      %convert_element_type3A_121 = arith.extui %lt3A_120 : i1 to i32
      %cond3A_122 = arith.constant 0 : i32
      %cond3A_123 = arith.cmpi ne, %convert_element_type3A_121, %cond3A_122 : i32
      scf.if %cond3A_123 {
        %mul3A_136 = arith.constant 80 : i32
        %mul3A_137 = arith.muli %add3A_116, %mul3A_136 : i32
        %add3A_138 = arith.addi %mul3A_2, %mul3A_137 : i32
        %dma_start3A_139 = tpu.memref_slice %arg2[%add3A_138] : memref<320000xi32, #tpu.memory_space<hbm>> -> memref<80xi32, #tpu.memory_space<hbm>>
        %dma_start3A_140 = tpu.memref_slice %arg2[%add3A_138] : memref<320000xi32, #tpu.memory_space<hbm>> -> memref<80xi32, #tpu.memory_space<hbm>>
        tpu.enqueue_dma source(%dma_start3A_140 : memref<80xi32, #tpu.memory_space<hbm>>) target(%arg6 : memref<80xi32, #tpu.memory_space<vmem>>) target_semaphore(%arg13 : memref<!tpu.dma_semaphore, #tpu.memory_space<semaphore_mem>>)
      } else {
      }
      %add3A_124 = arith.constant 4 : i32
      %add3A_125 = arith.addi %mul3A_69, %add3A_124 : i32
      %add3A_126 = arith.constant 3 : i32
      %add3A_127 = arith.addi %add3A_125, %add3A_126 : i32
      %dma_wait3A_128 = arith.constant 0 : i32
      %dma_wait3A_129 = tpu.memref_slice %arg10[%dma_wait3A_128] : memref<10240xf32, #tpu.memory_space<vmem_shared>> -> memref<10240xf32, #tpu.memory_space<vmem_shared>>
      tpu.wait_indirect_dma semaphore(%arg18 : memref<!tpu.dma_semaphore, #tpu.memory_space<semaphore_mem>>) src(%arg8 : memref<80xf32, #tpu.memory_space<vmem>>) dst(%dma_wait3A_129 : memref<10240xf32, #tpu.memory_space<vmem_shared>>)
      %lt3A_130 = arith.constant 125 : i32
      %lt3A_131 = arith.cmpi slt, %add3A_127, %lt3A_130 : i32
      %convert_element_type3A_132 = arith.extui %lt3A_131 : i1 to i32
      %cond3A_133 = arith.constant 0 : i32
      %cond3A_134 = arith.cmpi ne, %convert_element_type3A_132, %cond3A_133 : i32
      scf.if %cond3A_134 {
        %mul3A_136 = arith.constant 80 : i32
        %mul3A_137 = arith.muli %add3A_127, %mul3A_136 : i32
        %add3A_138 = arith.addi %mul3A_2, %mul3A_137 : i32
        %dma_start3A_139 = tpu.memref_slice %arg2[%add3A_138] : memref<320000xi32, #tpu.memory_space<hbm>> -> memref<80xi32, #tpu.memory_space<hbm>>
        %dma_start3A_140 = tpu.memref_slice %arg2[%add3A_138] : memref<320000xi32, #tpu.memory_space<hbm>> -> memref<80xi32, #tpu.memory_space<hbm>>
        tpu.enqueue_dma source(%dma_start3A_140 : memref<80xi32, #tpu.memory_space<hbm>>) target(%arg7 : memref<80xi32, #tpu.memory_space<vmem>>) target_semaphore(%arg14 : memref<!tpu.dma_semaphore, #tpu.memory_space<semaphore_mem>>)
      } else {
      }
      %scan3A_135 = arith.constant 0 : i32
      scf.yield %scan3A_135 : i32
    }
    %scan3A_54 = arith.constant 31 : i32
    %dma_wait3A = arith.constant 0 : i32
    %dma_wait3A_55 = tpu.memref_slice %arg2[%dma_wait3A] : memref<320000xi32, #tpu.memory_space<hbm>> -> memref<80xi32, #tpu.memory_space<hbm>>
    %dma_wait3A_56 = arith.constant 0 : i32
    %dma_wait3A_57 = tpu.memref_slice %arg2[%dma_wait3A_56] : memref<320000xi32, #tpu.memory_space<hbm>> -> memref<80xi32, #tpu.memory_space<hbm>>
    tpu.wait_dma2 semaphore(%arg11 : memref<!tpu.dma_semaphore, #tpu.memory_space<semaphore_mem>>) src(%dma_wait3A_57 : memref<80xi32, #tpu.memory_space<hbm>>) dst(%arg4 : memref<80xi32, #tpu.memory_space<vmem>>)
    "tpu.region"() ({
      %run_scoped3A = tpu.sem_alloc : memref<!tpu.dma_semaphore, #tpu.memory_space<semaphore_mem>>
      %dma_start3A_66 = arith.constant 0 : i32
      %dma_start3A_67 = tpu.memref_slice %arg10[%dma_start3A_66] : memref<10240xf32, #tpu.memory_space<vmem_shared>> -> memref<10240xf32, #tpu.memory_space<vmem_shared>>
      tpu.enqueue_indirect_dma source(%arg8 : memref<80xf32, #tpu.memory_space<vmem>>) target(%dma_start3A_67 : memref<10240xf32, #tpu.memory_space<vmem_shared>>) offsets(%arg4 : memref<80xi32, #tpu.memory_space<vmem>>) semaphore(%run_scoped3A : memref<!tpu.dma_semaphore, #tpu.memory_space<semaphore_mem>>) {add = true}
      %dma_wait3A_68 = arith.constant 0 : i32
      %dma_wait3A_69 = tpu.memref_slice %arg10[%dma_wait3A_68] : memref<10240xf32, #tpu.memory_space<vmem_shared>> -> memref<10240xf32, #tpu.memory_space<vmem_shared>>
      tpu.wait_indirect_dma semaphore(%run_scoped3A : memref<!tpu.dma_semaphore, #tpu.memory_space<semaphore_mem>>) src(%arg8 : memref<80xf32, #tpu.memory_space<vmem>>) dst(%dma_wait3A_69 : memref<10240xf32, #tpu.memory_space<vmem_shared>>)
      tpu.yield
    }) : () -> ()
    %barrier3A_58 = arith.constant 0 : index
    tpu.barrier barrier_id(%barrier3A_58)
    %mul3A_59 = arith.constant 640 : i32
    %mul3A_60 = arith.muli %arg1, %mul3A_59 : i32
    %mul3A_61 = arith.constant 10240 : i32
    %mul3A_62 = arith.muli %arg0, %mul3A_61 : i32
    %mul3A_63 = arith.constant 640 : i32
    %mul3A_64 = arith.muli %arg1, %mul3A_63 : i32
    %add3A_65 = arith.addi %mul3A_62, %mul3A_64 : i32
    "tpu.region"() ({
      %run_scoped3A = tpu.sem_alloc : memref<!tpu.dma_semaphore, #tpu.memory_space<semaphore_mem>>
      %dma_start3A_66 = tpu.memref_slice %arg3[%add3A_65] : memref<20480xf32, #tpu.memory_space<hbm>> -> memref<640xf32, #tpu.memory_space<hbm>>
      %dma_start3A_67 = tpu.memref_slice %arg10[%mul3A_60] : memref<10240xf32, #tpu.memory_space<vmem_shared>> -> memref<640xf32, #tpu.memory_space<vmem_shared>>
      tpu.enqueue_dma source(%dma_start3A_67 : memref<640xf32, #tpu.memory_space<vmem_shared>>) target(%dma_start3A_66 : memref<640xf32, #tpu.memory_space<hbm>>) target_semaphore(%run_scoped3A : memref<!tpu.dma_semaphore, #tpu.memory_space<semaphore_mem>>)
      %dma_wait3A_68 = tpu.memref_slice %arg3[%add3A_65] : memref<20480xf32, #tpu.memory_space<hbm>> -> memref<640xf32, #tpu.memory_space<hbm>>
      %dma_wait3A_69 = tpu.memref_slice %arg10[%mul3A_60] : memref<10240xf32, #tpu.memory_space<vmem_shared>> -> memref<640xf32, #tpu.memory_space<vmem_shared>>
      tpu.wait_dma2 semaphore(%run_scoped3A : memref<!tpu.dma_semaphore, #tpu.memory_space<semaphore_mem>>) src(%dma_wait3A_69 : memref<640xf32, #tpu.memory_space<vmem_shared>>) dst(%dma_wait3A_68 : memref<640xf32, #tpu.memory_space<hbm>>)
      tpu.yield
    }) : () -> ()
    return
  }
}

#map = affine_map<(d0, d1) -> (0, 0)>
#map1 = affine_map<(d0, d1) -> (0)>
module attributes {stable_mosaic.version = 14 : i64} {
  func.func @_scatter_body(%arg0: i32, %arg1: i32, %arg2: memref<10000x128xf32, #tpu.memory_space<hbm>>, %arg3: memref<320000xi32, #tpu.memory_space<hbm>>, %arg4: memref<320000xi32, #tpu.memory_space<hbm>>, %arg5: memref<20480x128xf32, #tpu.memory_space<hbm>>, %arg6: memref<10000xi32, #tpu.memory_space<vmem>>, %arg7: memref<80xi32, #tpu.memory_space<vmem>>, %arg8: memref<80xi32, #tpu.memory_space<vmem>>, %arg9: memref<80x128xf32, #tpu.memory_space<vmem>>, %arg10: memref<80x128xf32, #tpu.memory_space<vmem>>, %arg11: memref<128x128xf32, #tpu.memory_space<vmem>>, %arg12: memref<10240x128xf32, #tpu.memory_space<vmem_shared>>, %arg13: memref<!tpu.dma_semaphore, #tpu.memory_space<semaphore_mem>>, %arg14: memref<!tpu.dma_semaphore, #tpu.memory_space<semaphore_mem>>, %arg15: memref<!tpu.dma_semaphore, #tpu.memory_space<semaphore_mem>>, %arg16: memref<!tpu.dma_semaphore, #tpu.memory_space<semaphore_mem>>, %arg17: memref<!tpu.dma_semaphore, #tpu.memory_space<semaphore_mem>>) attributes {dimension_semantics = [#tpu.dimension_semantics<core_parallel>, #tpu.dimension_semantics<subcore_parallel>], iteration_bounds = array<i64: 2, 16>, scalar_prefetch = 0 : i64, scratch_operands = 12 : i64, tpu.core_type = #tpu.core_type<sc_vector_subcore>, window_params = [{transform_indices = #map}, {transform_indices = #map1}, {transform_indices = #map1}, {transform_indices = #map}]} {
    %mul3A = arith.constant 16 : i32
    %mul3A_0 = arith.muli %arg0, %mul3A : i32
    %add3A = arith.addi %mul3A_0, %arg1 : i32
    %mul3A_1 = arith.constant 10000 : i32
    %mul3A_2 = arith.muli %add3A, %mul3A_1 : i32
    %dma_start3A = tpu.memref_slice %arg3[%mul3A_2] : memref<320000xi32, #tpu.memory_space<hbm>> -> memref<10000xi32, #tpu.memory_space<hbm>>
    %dma_start3A_3 = tpu.memref_slice %arg3[%mul3A_2] : memref<320000xi32, #tpu.memory_space<hbm>> -> memref<10000xi32, #tpu.memory_space<hbm>>
    tpu.enqueue_dma source(%dma_start3A_3 : memref<10000xi32, #tpu.memory_space<hbm>>) target(%arg6 : memref<10000xi32, #tpu.memory_space<vmem>>) target_semaphore(%arg13 : memref<!tpu.dma_semaphore, #tpu.memory_space<semaphore_mem>>)
    %broadcast_in_dim3A = arith.constant 0.000000e+00 : f32
    %broadcast_in_dim3A_4 = vector.broadcast %broadcast_in_dim3A : f32 to vector<16xf32>
    %scan3A = arith.constant 0 : i32
    %scan3A_5 = arith.constant 0 : i32
    %scan3A_6 = arith.constant 128 : i32
    %scan3A_7 = arith.addi %scan3A_5, %scan3A_6 : i32
    %scan3A_8 = arith.constant 1 : i32
    %scan3A_9 = scf.for %scan3A_74 = %scan3A_5 to %scan3A_7 step %scan3A_8 iter_args(%scan3A_75 = %scan3A) -> (i32)  : i32 {
      %swap3A = arith.index_cast %scan3A_74 : i32 to index
      %swap3A_76 = arith.constant 0 : index
      %swap3A_77 = tpu.vector_load %arg11[%swap3A, %swap3A_76] {strides = array<i32>} : memref<128x128xf32, #tpu.memory_space<vmem>>, vector<1x16xf32>,
      %swap3A_78 = vector.shape_cast %swap3A_77 : vector<1x16xf32> to vector<16xf32>
      %swap3A_79 = vector.shape_cast %broadcast_in_dim3A_4 : vector<16xf32> to vector<1x16xf32>
      tpu.vector_store %arg11[%swap3A, %swap3A_76], %swap3A_79 {strides = array<i32>} : memref<128x128xf32, #tpu.memory_space<vmem>>, vector<1x16xf32>,
      %swap3A_80 = arith.index_cast %scan3A_74 : i32 to index
      %swap3A_81 = arith.constant 16 : index
      %swap3A_82 = tpu.vector_load %arg11[%swap3A_80, %swap3A_81] {strides = array<i32>} : memref<128x128xf32, #tpu.memory_space<vmem>>, vector<1x16xf32>,
      %swap3A_83 = vector.shape_cast %swap3A_82 : vector<1x16xf32> to vector<16xf32>
      %swap3A_84 = vector.shape_cast %broadcast_in_dim3A_4 : vector<16xf32> to vector<1x16xf32>
      tpu.vector_store %arg11[%swap3A_80, %swap3A_81], %swap3A_84 {strides = array<i32>} : memref<128x128xf32, #tpu.memory_space<vmem>>, vector<1x16xf32>,
      %swap3A_85 = arith.index_cast %scan3A_74 : i32 to index
      %swap3A_86 = arith.constant 32 : index
      %swap3A_87 = tpu.vector_load %arg11[%swap3A_85, %swap3A_86] {strides = array<i32>} : memref<128x128xf32, #tpu.memory_space<vmem>>, vector<1x16xf32>,
      %swap3A_88 = vector.shape_cast %swap3A_87 : vector<1x16xf32> to vector<16xf32>
      %swap3A_89 = vector.shape_cast %broadcast_in_dim3A_4 : vector<16xf32> to vector<1x16xf32>
      tpu.vector_store %arg11[%swap3A_85, %swap3A_86], %swap3A_89 {strides = array<i32>} : memref<128x128xf32, #tpu.memory_space<vmem>>, vector<1x16xf32>,
      %swap3A_90 = arith.index_cast %scan3A_74 : i32 to index
      %swap3A_91 = arith.constant 48 : index
      %swap3A_92 = tpu.vector_load %arg11[%swap3A_90, %swap3A_91] {strides = array<i32>} : memref<128x128xf32, #tpu.memory_space<vmem>>, vector<1x16xf32>,
      %swap3A_93 = vector.shape_cast %swap3A_92 : vector<1x16xf32> to vector<16xf32>
      %swap3A_94 = vector.shape_cast %broadcast_in_dim3A_4 : vector<16xf32> to vector<1x16xf32>
      tpu.vector_store %arg11[%swap3A_90, %swap3A_91], %swap3A_94 {strides = array<i32>} : memref<128x128xf32, #tpu.memory_space<vmem>>, vector<1x16xf32>,
      %swap3A_95 = arith.index_cast %scan3A_74 : i32 to index
      %swap3A_96 = arith.constant 64 : index
      %swap3A_97 = tpu.vector_load %arg11[%swap3A_95, %swap3A_96] {strides = array<i32>} : memref<128x128xf32, #tpu.memory_space<vmem>>, vector<1x16xf32>,
      %swap3A_98 = vector.shape_cast %swap3A_97 : vector<1x16xf32> to vector<16xf32>
      %swap3A_99 = vector.shape_cast %broadcast_in_dim3A_4 : vector<16xf32> to vector<1x16xf32>
      tpu.vector_store %arg11[%swap3A_95, %swap3A_96], %swap3A_99 {strides = array<i32>} : memref<128x128xf32, #tpu.memory_space<vmem>>, vector<1x16xf32>,
      %swap3A_100 = arith.index_cast %scan3A_74 : i32 to index
      %swap3A_101 = arith.constant 80 : index
      %swap3A_102 = tpu.vector_load %arg11[%swap3A_100, %swap3A_101] {strides = array<i32>} : memref<128x128xf32, #tpu.memory_space<vmem>>, vector<1x16xf32>,
      %swap3A_103 = vector.shape_cast %swap3A_102 : vector<1x16xf32> to vector<16xf32>
      %swap3A_104 = vector.shape_cast %broadcast_in_dim3A_4 : vector<16xf32> to vector<1x16xf32>
      tpu.vector_store %arg11[%swap3A_100, %swap3A_101], %swap3A_104 {strides = array<i32>} : memref<128x128xf32, #tpu.memory_space<vmem>>, vector<1x16xf32>,
      %swap3A_105 = arith.index_cast %scan3A_74 : i32 to index
      %swap3A_106 = arith.constant 96 : index
      %swap3A_107 = tpu.vector_load %arg11[%swap3A_105, %swap3A_106] {strides = array<i32>} : memref<128x128xf32, #tpu.memory_space<vmem>>, vector<1x16xf32>,
      %swap3A_108 = vector.shape_cast %swap3A_107 : vector<1x16xf32> to vector<16xf32>
      %swap3A_109 = vector.shape_cast %broadcast_in_dim3A_4 : vector<16xf32> to vector<1x16xf32>
      tpu.vector_store %arg11[%swap3A_105, %swap3A_106], %swap3A_109 {strides = array<i32>} : memref<128x128xf32, #tpu.memory_space<vmem>>, vector<1x16xf32>,
      %swap3A_110 = arith.index_cast %scan3A_74 : i32 to index
      %swap3A_111 = arith.constant 112 : index
      %swap3A_112 = tpu.vector_load %arg11[%swap3A_110, %swap3A_111] {strides = array<i32>} : memref<128x128xf32, #tpu.memory_space<vmem>>, vector<1x16xf32>,
      %swap3A_113 = vector.shape_cast %swap3A_112 : vector<1x16xf32> to vector<16xf32>
      %swap3A_114 = vector.shape_cast %broadcast_in_dim3A_4 : vector<16xf32> to vector<1x16xf32>
      tpu.vector_store %arg11[%swap3A_110, %swap3A_111], %swap3A_114 {strides = array<i32>} : memref<128x128xf32, #tpu.memory_space<vmem>>, vector<1x16xf32>,
      %scan3A_115 = arith.constant 0 : i32
      scf.yield %scan3A_115 : i32
    }
    %scan3A_10 = arith.constant 128 : i32
    %mul3A_11 = arith.constant 640 : i32
    %mul3A_12 = arith.muli %arg1, %mul3A_11 : i32
    %add3A_13 = arith.constant 0 : i32
    %add3A_14 = arith.addi %mul3A_12, %add3A_13 : i32
    "tpu.region"() ({
      %run_scoped3A = tpu.sem_alloc : memref<!tpu.dma_semaphore, #tpu.memory_space<semaphore_mem>>
      %dma_start3A_74 = arith.constant 0 : i32
      %dma_start3A_75 = tpu.memref_slice %arg12[%add3A_14, %dma_start3A_74] : memref<10240x128xf32, #tpu.memory_space<vmem_shared>> -> memref<128x128xf32, #tpu.memory_space<vmem_shared>>
      %dma_start3A_76 = arith.constant 0 : i32
      %dma_start3A_77 = tpu.memref_slice %arg12[%add3A_14, %dma_start3A_76] : memref<10240x128xf32, #tpu.memory_space<vmem_shared>> -> memref<128x128xf32, #tpu.memory_space<vmem_shared>>
      tpu.enqueue_dma source(%arg11 : memref<128x128xf32, #tpu.memory_space<vmem>>) target(%dma_start3A_77 : memref<128x128xf32, #tpu.memory_space<vmem_shared>>) target_semaphore(%run_scoped3A : memref<!tpu.dma_semaphore, #tpu.memory_space<semaphore_mem>>)
      %dma_wait3A_78 = arith.constant 0 : i32
      %dma_wait3A_79 = tpu.memref_slice %arg12[%add3A_14, %dma_wait3A_78] : memref<10240x128xf32, #tpu.memory_space<vmem_shared>> -> memref<128x128xf32, #tpu.memory_space<vmem_shared>>
      %dma_wait3A_80 = arith.constant 0 : i32
      %dma_wait3A_81 = tpu.memref_slice %arg12[%add3A_14, %dma_wait3A_80] : memref<10240x128xf32, #tpu.memory_space<vmem_shared>> -> memref<128x128xf32, #tpu.memory_space<vmem_shared>>
      tpu.wait_dma2 semaphore(%run_scoped3A : memref<!tpu.dma_semaphore, #tpu.memory_space<semaphore_mem>>) src(%arg11 : memref<128x128xf32, #tpu.memory_space<vmem>>) dst(%dma_wait3A_81 : memref<128x128xf32, #tpu.memory_space<vmem_shared>>)
      tpu.yield
    }) : () -> ()
    %mul3A_15 = arith.constant 640 : i32
    %mul3A_16 = arith.muli %arg1, %mul3A_15 : i32
    %add3A_17 = arith.constant 128 : i32
    %add3A_18 = arith.addi %mul3A_16, %add3A_17 : i32
    "tpu.region"() ({
      %run_scoped3A = tpu.sem_alloc : memref<!tpu.dma_semaphore, #tpu.memory_space<semaphore_mem>>
      %dma_start3A_74 = arith.constant 0 : i32
      %dma_start3A_75 = tpu.memref_slice %arg12[%add3A_18, %dma_start3A_74] : memref<10240x128xf32, #tpu.memory_space<vmem_shared>> -> memref<128x128xf32, #tpu.memory_space<vmem_shared>>
      %dma_start3A_76 = arith.constant 0 : i32
      %dma_start3A_77 = tpu.memref_slice %arg12[%add3A_18, %dma_start3A_76] : memref<10240x128xf32, #tpu.memory_space<vmem_shared>> -> memref<128x128xf32, #tpu.memory_space<vmem_shared>>
      tpu.enqueue_dma source(%arg11 : memref<128x128xf32, #tpu.memory_space<vmem>>) target(%dma_start3A_77 : memref<128x128xf32, #tpu.memory_space<vmem_shared>>) target_semaphore(%run_scoped3A : memref<!tpu.dma_semaphore, #tpu.memory_space<semaphore_mem>>)
      %dma_wait3A_78 = arith.constant 0 : i32
      %dma_wait3A_79 = tpu.memref_slice %arg12[%add3A_18, %dma_wait3A_78] : memref<10240x128xf32, #tpu.memory_space<vmem_shared>> -> memref<128x128xf32, #tpu.memory_space<vmem_shared>>
      %dma_wait3A_80 = arith.constant 0 : i32
      %dma_wait3A_81 = tpu.memref_slice %arg12[%add3A_18, %dma_wait3A_80] : memref<10240x128xf32, #tpu.memory_space<vmem_shared>> -> memref<128x128xf32, #tpu.memory_space<vmem_shared>>
      tpu.wait_dma2 semaphore(%run_scoped3A : memref<!tpu.dma_semaphore, #tpu.memory_space<semaphore_mem>>) src(%arg11 : memref<128x128xf32, #tpu.memory_space<vmem>>) dst(%dma_wait3A_81 : memref<128x128xf32, #tpu.memory_space<vmem_shared>>)
      tpu.yield
    }) : () -> ()
    %mul3A_19 = arith.constant 640 : i32
    %mul3A_20 = arith.muli %arg1, %mul3A_19 : i32
    %add3A_21 = arith.constant 256 : i32
    %add3A_22 = arith.addi %mul3A_20, %add3A_21 : i32
    "tpu.region"() ({
      %run_scoped3A = tpu.sem_alloc : memref<!tpu.dma_semaphore, #tpu.memory_space<semaphore_mem>>
      %dma_start3A_74 = arith.constant 0 : i32
      %dma_start3A_75 = tpu.memref_slice %arg12[%add3A_22, %dma_start3A_74] : memref<10240x128xf32, #tpu.memory_space<vmem_shared>> -> memref<128x128xf32, #tpu.memory_space<vmem_shared>>
      %dma_start3A_76 = arith.constant 0 : i32
      %dma_start3A_77 = tpu.memref_slice %arg12[%add3A_22, %dma_start3A_76] : memref<10240x128xf32, #tpu.memory_space<vmem_shared>> -> memref<128x128xf32, #tpu.memory_space<vmem_shared>>
      tpu.enqueue_dma source(%arg11 : memref<128x128xf32, #tpu.memory_space<vmem>>) target(%dma_start3A_77 : memref<128x128xf32, #tpu.memory_space<vmem_shared>>) target_semaphore(%run_scoped3A : memref<!tpu.dma_semaphore, #tpu.memory_space<semaphore_mem>>)
      %dma_wait3A_78 = arith.constant 0 : i32
      %dma_wait3A_79 = tpu.memref_slice %arg12[%add3A_22, %dma_wait3A_78] : memref<10240x128xf32, #tpu.memory_space<vmem_shared>> -> memref<128x128xf32, #tpu.memory_space<vmem_shared>>
      %dma_wait3A_80 = arith.constant 0 : i32
      %dma_wait3A_81 = tpu.memref_slice %arg12[%add3A_22, %dma_wait3A_80] : memref<10240x128xf32, #tpu.memory_space<vmem_shared>> -> memref<128x128xf32, #tpu.memory_space<vmem_shared>>
      tpu.wait_dma2 semaphore(%run_scoped3A : memref<!tpu.dma_semaphore, #tpu.memory_space<semaphore_mem>>) src(%arg11 : memref<128x128xf32, #tpu.memory_space<vmem>>) dst(%dma_wait3A_81 : memref<128x128xf32, #tpu.memory_space<vmem_shared>>)
      tpu.yield
    }) : () -> ()
    %mul3A_23 = arith.constant 640 : i32
    %mul3A_24 = arith.muli %arg1, %mul3A_23 : i32
    %add3A_25 = arith.constant 384 : i32
    %add3A_26 = arith.addi %mul3A_24, %add3A_25 : i32
    "tpu.region"() ({
      %run_scoped3A = tpu.sem_alloc : memref<!tpu.dma_semaphore, #tpu.memory_space<semaphore_mem>>
      %dma_start3A_74 = arith.constant 0 : i32
      %dma_start3A_75 = tpu.memref_slice %arg12[%add3A_26, %dma_start3A_74] : memref<10240x128xf32, #tpu.memory_space<vmem_shared>> -> memref<128x128xf32, #tpu.memory_space<vmem_shared>>
      %dma_start3A_76 = arith.constant 0 : i32
      %dma_start3A_77 = tpu.memref_slice %arg12[%add3A_26, %dma_start3A_76] : memref<10240x128xf32, #tpu.memory_space<vmem_shared>> -> memref<128x128xf32, #tpu.memory_space<vmem_shared>>
      tpu.enqueue_dma source(%arg11 : memref<128x128xf32, #tpu.memory_space<vmem>>) target(%dma_start3A_77 : memref<128x128xf32, #tpu.memory_space<vmem_shared>>) target_semaphore(%run_scoped3A : memref<!tpu.dma_semaphore, #tpu.memory_space<semaphore_mem>>)
      %dma_wait3A_78 = arith.constant 0 : i32
      %dma_wait3A_79 = tpu.memref_slice %arg12[%add3A_26, %dma_wait3A_78] : memref<10240x128xf32, #tpu.memory_space<vmem_shared>> -> memref<128x128xf32, #tpu.memory_space<vmem_shared>>
      %dma_wait3A_80 = arith.constant 0 : i32
      %dma_wait3A_81 = tpu.memref_slice %arg12[%add3A_26, %dma_wait3A_80] : memref<10240x128xf32, #tpu.memory_space<vmem_shared>> -> memref<128x128xf32, #tpu.memory_space<vmem_shared>>
      tpu.wait_dma2 semaphore(%run_scoped3A : memref<!tpu.dma_semaphore, #tpu.memory_space<semaphore_mem>>) src(%arg11 : memref<128x128xf32, #tpu.memory_space<vmem>>) dst(%dma_wait3A_81 : memref<128x128xf32, #tpu.memory_space<vmem_shared>>)
      tpu.yield
    }) : () -> ()
    %mul3A_27 = arith.constant 640 : i32
    %mul3A_28 = arith.muli %arg1, %mul3A_27 : i32
    %add3A_29 = arith.constant 512 : i32
    %add3A_30 = arith.addi %mul3A_28, %add3A_29 : i32
    "tpu.region"() ({
      %run_scoped3A = tpu.sem_alloc : memref<!tpu.dma_semaphore, #tpu.memory_space<semaphore_mem>>
      %dma_start3A_74 = arith.constant 0 : i32
      %dma_start3A_75 = tpu.memref_slice %arg12[%add3A_30, %dma_start3A_74] : memref<10240x128xf32, #tpu.memory_space<vmem_shared>> -> memref<128x128xf32, #tpu.memory_space<vmem_shared>>
      %dma_start3A_76 = arith.constant 0 : i32
      %dma_start3A_77 = tpu.memref_slice %arg12[%add3A_30, %dma_start3A_76] : memref<10240x128xf32, #tpu.memory_space<vmem_shared>> -> memref<128x128xf32, #tpu.memory_space<vmem_shared>>
      tpu.enqueue_dma source(%arg11 : memref<128x128xf32, #tpu.memory_space<vmem>>) target(%dma_start3A_77 : memref<128x128xf32, #tpu.memory_space<vmem_shared>>) target_semaphore(%run_scoped3A : memref<!tpu.dma_semaphore, #tpu.memory_space<semaphore_mem>>)
      %dma_wait3A_78 = arith.constant 0 : i32
      %dma_wait3A_79 = tpu.memref_slice %arg12[%add3A_30, %dma_wait3A_78] : memref<10240x128xf32, #tpu.memory_space<vmem_shared>> -> memref<128x128xf32, #tpu.memory_space<vmem_shared>>
      %dma_wait3A_80 = arith.constant 0 : i32
      %dma_wait3A_81 = tpu.memref_slice %arg12[%add3A_30, %dma_wait3A_80] : memref<10240x128xf32, #tpu.memory_space<vmem_shared>> -> memref<128x128xf32, #tpu.memory_space<vmem_shared>>
      tpu.wait_dma2 semaphore(%run_scoped3A : memref<!tpu.dma_semaphore, #tpu.memory_space<semaphore_mem>>) src(%arg11 : memref<128x128xf32, #tpu.memory_space<vmem>>) dst(%dma_wait3A_81 : memref<128x128xf32, #tpu.memory_space<vmem_shared>>)
      tpu.yield
    }) : () -> ()
    %add3A_31 = arith.constant 0 : i32
    %add3A_32 = arith.addi %mul3A_2, %add3A_31 : i32
    %dma_start3A_33 = tpu.memref_slice %arg4[%add3A_32] : memref<320000xi32, #tpu.memory_space<hbm>> -> memref<80xi32, #tpu.memory_space<hbm>>
    %dma_start3A_34 = tpu.memref_slice %arg4[%add3A_32] : memref<320000xi32, #tpu.memory_space<hbm>> -> memref<80xi32, #tpu.memory_space<hbm>>
    tpu.enqueue_dma source(%dma_start3A_34 : memref<80xi32, #tpu.memory_space<hbm>>) target(%arg7 : memref<80xi32, #tpu.memory_space<vmem>>) target_semaphore(%arg14 : memref<!tpu.dma_semaphore, #tpu.memory_space<semaphore_mem>>)
    %add3A_35 = arith.constant 80 : i32
    %add3A_36 = arith.addi %mul3A_2, %add3A_35 : i32
    %dma_start3A_37 = tpu.memref_slice %arg4[%add3A_36] : memref<320000xi32, #tpu.memory_space<hbm>> -> memref<80xi32, #tpu.memory_space<hbm>>
    %dma_start3A_38 = tpu.memref_slice %arg4[%add3A_36] : memref<320000xi32, #tpu.memory_space<hbm>> -> memref<80xi32, #tpu.memory_space<hbm>>
    tpu.enqueue_dma source(%dma_start3A_38 : memref<80xi32, #tpu.memory_space<hbm>>) target(%arg8 : memref<80xi32, #tpu.memory_space<vmem>>) target_semaphore(%arg15 : memref<!tpu.dma_semaphore, #tpu.memory_space<semaphore_mem>>)
    %dma_wait3A = tpu.memref_slice %arg3[%mul3A_2] : memref<320000xi32, #tpu.memory_space<hbm>> -> memref<10000xi32, #tpu.memory_space<hbm>>
    %dma_wait3A_39 = tpu.memref_slice %arg3[%mul3A_2] : memref<320000xi32, #tpu.memory_space<hbm>> -> memref<10000xi32, #tpu.memory_space<hbm>>
    tpu.wait_dma2 semaphore(%arg13 : memref<!tpu.dma_semaphore, #tpu.memory_space<semaphore_mem>>) src(%dma_wait3A_39 : memref<10000xi32, #tpu.memory_space<hbm>>) dst(%arg6 : memref<10000xi32, #tpu.memory_space<vmem>>)
    %dma_start3A_40 = arith.constant 0 : i32
    %dma_start3A_41 = tpu.memref_slice %arg6[%dma_start3A_40] : memref<10000xi32, #tpu.memory_space<vmem>> -> memref<80xi32, #tpu.memory_space<vmem>>
    %dma_start3A_42 = arith.constant 0 : i32
    %dma_start3A_43 = arith.constant 0 : i32
    %dma_start3A_44 = tpu.memref_slice %arg2[%dma_start3A_42, %dma_start3A_43] : memref<10000x128xf32, #tpu.memory_space<hbm>> -> memref<10000x128xf32, #tpu.memory_space<hbm>>
    tpu.enqueue_indirect_dma source(%dma_start3A_44 : memref<10000x128xf32, #tpu.memory_space<hbm>>) target(%arg9 : memref<80x128xf32, #tpu.memory_space<vmem>>) offsets(%dma_start3A_41 : memref<80xi32, #tpu.memory_space<vmem>>) semaphore(%arg16 : memref<!tpu.dma_semaphore, #tpu.memory_space<semaphore_mem>>)
    %dma_start3A_45 = arith.constant 80 : i32
    %dma_start3A_46 = tpu.memref_slice %arg6[%dma_start3A_45] : memref<10000xi32, #tpu.memory_space<vmem>> -> memref<80xi32, #tpu.memory_space<vmem>>
    %dma_start3A_47 = arith.constant 0 : i32
    %dma_start3A_48 = arith.constant 0 : i32
    %dma_start3A_49 = tpu.memref_slice %arg2[%dma_start3A_47, %dma_start3A_48] : memref<10000x128xf32, #tpu.memory_space<hbm>> -> memref<10000x128xf32, #tpu.memory_space<hbm>>
    tpu.enqueue_indirect_dma source(%dma_start3A_49 : memref<10000x128xf32, #tpu.memory_space<hbm>>) target(%arg10 : memref<80x128xf32, #tpu.memory_space<vmem>>) offsets(%dma_start3A_46 : memref<80xi32, #tpu.memory_space<vmem>>) semaphore(%arg17 : memref<!tpu.dma_semaphore, #tpu.memory_space<semaphore_mem>>)
    %barrier3A = arith.constant 0 : index
    tpu.barrier barrier_id(%barrier3A)
    %scan3A_50 = arith.constant 0 : i32
    %scan3A_51 = arith.constant 0 : i32
    %scan3A_52 = arith.constant 62 : i32
    %scan3A_53 = arith.addi %scan3A_51, %scan3A_52 : i32
    %scan3A_54 = arith.constant 1 : i32
    %scan3A_55 = scf.for %scan3A_74 = %scan3A_51 to %scan3A_53 step %scan3A_54 iter_args(%scan3A_75 = %scan3A_50) -> (i32)  : i32 {
      %mul3A_76 = arith.constant 2 : i32
      %mul3A_77 = arith.muli %mul3A_76, %scan3A_74 : i32
      %add3A_78 = arith.constant 2 : i32
      %add3A_79 = arith.addi %mul3A_77, %add3A_78 : i32
      %add3A_80 = arith.constant 0 : i32
      %add3A_81 = arith.addi %add3A_79, %add3A_80 : i32
      %dma_wait3A_82 = arith.constant 0 : i32
      %dma_wait3A_83 = tpu.memref_slice %arg6[%dma_wait3A_82] : memref<10000xi32, #tpu.memory_space<vmem>> -> memref<80xi32, #tpu.memory_space<vmem>>
      %dma_wait3A_84 = arith.constant 0 : i32
      %dma_wait3A_85 = arith.constant 0 : i32
      %dma_wait3A_86 = tpu.memref_slice %arg2[%dma_wait3A_84, %dma_wait3A_85] : memref<10000x128xf32, #tpu.memory_space<hbm>> -> memref<10000x128xf32, #tpu.memory_space<hbm>>
      tpu.wait_indirect_dma semaphore(%arg16 : memref<!tpu.dma_semaphore, #tpu.memory_space<semaphore_mem>>) src(%dma_wait3A_86 : memref<10000x128xf32, #tpu.memory_space<hbm>>) dst(%arg9 : memref<80x128xf32, #tpu.memory_space<vmem>>)
      %dma_wait3A_87 = arith.constant 0 : i32
      %dma_wait3A_88 = tpu.memref_slice %arg4[%dma_wait3A_87] : memref<320000xi32, #tpu.memory_space<hbm>> -> memref<80xi32, #tpu.memory_space<hbm>>
      %dma_wait3A_89 = arith.constant 0 : i32
      %dma_wait3A_90 = tpu.memref_slice %arg4[%dma_wait3A_89] : memref<320000xi32, #tpu.memory_space<hbm>> -> memref<80xi32, #tpu.memory_space<hbm>>
      tpu.wait_dma2 semaphore(%arg14 : memref<!tpu.dma_semaphore, #tpu.memory_space<semaphore_mem>>) src(%dma_wait3A_90 : memref<80xi32, #tpu.memory_space<hbm>>) dst(%arg7 : memref<80xi32, #tpu.memory_space<vmem>>)
      "tpu.region"() ({
        %run_scoped3A = tpu.sem_alloc : memref<!tpu.dma_semaphore, #tpu.memory_space<semaphore_mem>>
        %dma_start3A_112 = arith.constant 0 : i32
        %dma_start3A_113 = arith.constant 0 : i32
        %dma_start3A_114 = tpu.memref_slice %arg12[%dma_start3A_112, %dma_start3A_113] : memref<10240x128xf32, #tpu.memory_space<vmem_shared>> -> memref<10240x128xf32, #tpu.memory_space<vmem_shared>>
        tpu.enqueue_indirect_dma source(%arg9 : memref<80x128xf32, #tpu.memory_space<vmem>>) target(%dma_start3A_114 : memref<10240x128xf32, #tpu.memory_space<vmem_shared>>) offsets(%arg7 : memref<80xi32, #tpu.memory_space<vmem>>) semaphore(%run_scoped3A : memref<!tpu.dma_semaphore, #tpu.memory_space<semaphore_mem>>) {add = true}
        %dma_wait3A_115 = arith.constant 0 : i32
        %dma_wait3A_116 = arith.constant 0 : i32
        %dma_wait3A_117 = tpu.memref_slice %arg12[%dma_wait3A_115, %dma_wait3A_116] : memref<10240x128xf32, #tpu.memory_space<vmem_shared>> -> memref<10240x128xf32, #tpu.memory_space<vmem_shared>>
        tpu.wait_indirect_dma semaphore(%run_scoped3A : memref<!tpu.dma_semaphore, #tpu.memory_space<semaphore_mem>>) src(%arg9 : memref<80x128xf32, #tpu.memory_space<vmem>>) dst(%dma_wait3A_117 : memref<10240x128xf32, #tpu.memory_space<vmem_shared>>)
        tpu.yield
      }) : () -> ()
      %lt3A = arith.constant 125 : i32
      %lt3A_91 = arith.cmpi slt, %add3A_81, %lt3A : i32
      %convert_element_type3A = arith.extui %lt3A_91 : i1 to i32
      %cond3A = arith.constant 0 : i32
      %cond3A_92 = arith.cmpi ne, %convert_element_type3A, %cond3A : i32
      scf.if %cond3A_92 {
        %mul3A_112 = arith.constant 80 : i32
        %mul3A_113 = arith.muli %add3A_81, %mul3A_112 : i32
        %add3A_114 = arith.addi %mul3A_2, %mul3A_113 : i32
        %dma_start3A_115 = tpu.memref_slice %arg4[%add3A_114] : memref<320000xi32, #tpu.memory_space<hbm>> -> memref<80xi32, #tpu.memory_space<hbm>>
        %dma_start3A_116 = tpu.memref_slice %arg4[%add3A_114] : memref<320000xi32, #tpu.memory_space<hbm>> -> memref<80xi32, #tpu.memory_space<hbm>>
        tpu.enqueue_dma source(%dma_start3A_116 : memref<80xi32, #tpu.memory_space<hbm>>) target(%arg7 : memref<80xi32, #tpu.memory_space<vmem>>) target_semaphore(%arg14 : memref<!tpu.dma_semaphore, #tpu.memory_space<semaphore_mem>>)
        %mul3A_117 = arith.constant 80 : i32
        %mul3A_118 = arith.muli %add3A_81, %mul3A_117 : i32
        %dma_start3A_119 = tpu.memref_slice %arg6[%mul3A_118] : memref<10000xi32, #tpu.memory_space<vmem>> -> memref<80xi32, #tpu.memory_space<vmem>>
        %dma_start3A_120 = arith.constant 0 : i32
        %dma_start3A_121 = arith.constant 0 : i32
        %dma_start3A_122 = tpu.memref_slice %arg2[%dma_start3A_120, %dma_start3A_121] : memref<10000x128xf32, #tpu.memory_space<hbm>> -> memref<10000x128xf32, #tpu.memory_space<hbm>>
        tpu.enqueue_indirect_dma source(%dma_start3A_122 : memref<10000x128xf32, #tpu.memory_space<hbm>>) target(%arg9 : memref<80x128xf32, #tpu.memory_space<vmem>>) offsets(%dma_start3A_119 : memref<80xi32, #tpu.memory_space<vmem>>) semaphore(%arg16 : memref<!tpu.dma_semaphore, #tpu.memory_space<semaphore_mem>>)
      } else {
      }
      %add3A_93 = arith.constant 2 : i32
      %add3A_94 = arith.addi %mul3A_77, %add3A_93 : i32
      %add3A_95 = arith.constant 1 : i32
      %add3A_96 = arith.addi %add3A_94, %add3A_95 : i32
      %dma_wait3A_97 = arith.constant 0 : i32
      %dma_wait3A_98 = tpu.memref_slice %arg6[%dma_wait3A_97] : memref<10000xi32, #tpu.memory_space<vmem>> -> memref<80xi32, #tpu.memory_space<vmem>>
      %dma_wait3A_99 = arith.constant 0 : i32
      %dma_wait3A_100 = arith.constant 0 : i32
      %dma_wait3A_101 = tpu.memref_slice %arg2[%dma_wait3A_99, %dma_wait3A_100] : memref<10000x128xf32, #tpu.memory_space<hbm>> -> memref<10000x128xf32, #tpu.memory_space<hbm>>
      tpu.wait_indirect_dma semaphore(%arg17 : memref<!tpu.dma_semaphore, #tpu.memory_space<semaphore_mem>>) src(%dma_wait3A_101 : memref<10000x128xf32, #tpu.memory_space<hbm>>) dst(%arg10 : memref<80x128xf32, #tpu.memory_space<vmem>>)
      %dma_wait3A_102 = arith.constant 0 : i32
      %dma_wait3A_103 = tpu.memref_slice %arg4[%dma_wait3A_102] : memref<320000xi32, #tpu.memory_space<hbm>> -> memref<80xi32, #tpu.memory_space<hbm>>
      %dma_wait3A_104 = arith.constant 0 : i32
      %dma_wait3A_105 = tpu.memref_slice %arg4[%dma_wait3A_104] : memref<320000xi32, #tpu.memory_space<hbm>> -> memref<80xi32, #tpu.memory_space<hbm>>
      tpu.wait_dma2 semaphore(%arg15 : memref<!tpu.dma_semaphore, #tpu.memory_space<semaphore_mem>>) src(%dma_wait3A_105 : memref<80xi32, #tpu.memory_space<hbm>>) dst(%arg8 : memref<80xi32, #tpu.memory_space<vmem>>)
      "tpu.region"() ({
        %run_scoped3A = tpu.sem_alloc : memref<!tpu.dma_semaphore, #tpu.memory_space<semaphore_mem>>
        %dma_start3A_112 = arith.constant 0 : i32
        %dma_start3A_113 = arith.constant 0 : i32
        %dma_start3A_114 = tpu.memref_slice %arg12[%dma_start3A_112, %dma_start3A_113] : memref<10240x128xf32, #tpu.memory_space<vmem_shared>> -> memref<10240x128xf32, #tpu.memory_space<vmem_shared>>
        tpu.enqueue_indirect_dma source(%arg10 : memref<80x128xf32, #tpu.memory_space<vmem>>) target(%dma_start3A_114 : memref<10240x128xf32, #tpu.memory_space<vmem_shared>>) offsets(%arg8 : memref<80xi32, #tpu.memory_space<vmem>>) semaphore(%run_scoped3A : memref<!tpu.dma_semaphore, #tpu.memory_space<semaphore_mem>>) {add = true}
        %dma_wait3A_115 = arith.constant 0 : i32
        %dma_wait3A_116 = arith.constant 0 : i32
        %dma_wait3A_117 = tpu.memref_slice %arg12[%dma_wait3A_115, %dma_wait3A_116] : memref<10240x128xf32, #tpu.memory_space<vmem_shared>> -> memref<10240x128xf32, #tpu.memory_space<vmem_shared>>
        tpu.wait_indirect_dma semaphore(%run_scoped3A : memref<!tpu.dma_semaphore, #tpu.memory_space<semaphore_mem>>) src(%arg10 : memref<80x128xf32, #tpu.memory_space<vmem>>) dst(%dma_wait3A_117 : memref<10240x128xf32, #tpu.memory_space<vmem_shared>>)
        tpu.yield
      }) : () -> ()
      %lt3A_106 = arith.constant 125 : i32
      %lt3A_107 = arith.cmpi slt, %add3A_96, %lt3A_106 : i32
      %convert_element_type3A_108 = arith.extui %lt3A_107 : i1 to i32
      %cond3A_109 = arith.constant 0 : i32
      %cond3A_110 = arith.cmpi ne, %convert_element_type3A_108, %cond3A_109 : i32
      scf.if %cond3A_110 {
        %mul3A_112 = arith.constant 80 : i32
        %mul3A_113 = arith.muli %add3A_96, %mul3A_112 : i32
        %add3A_114 = arith.addi %mul3A_2, %mul3A_113 : i32
        %dma_start3A_115 = tpu.memref_slice %arg4[%add3A_114] : memref<320000xi32, #tpu.memory_space<hbm>> -> memref<80xi32, #tpu.memory_space<hbm>>
        %dma_start3A_116 = tpu.memref_slice %arg4[%add3A_114] : memref<320000xi32, #tpu.memory_space<hbm>> -> memref<80xi32, #tpu.memory_space<hbm>>
        tpu.enqueue_dma source(%dma_start3A_116 : memref<80xi32, #tpu.memory_space<hbm>>) target(%arg8 : memref<80xi32, #tpu.memory_space<vmem>>) target_semaphore(%arg15 : memref<!tpu.dma_semaphore, #tpu.memory_space<semaphore_mem>>)
        %mul3A_117 = arith.constant 80 : i32
        %mul3A_118 = arith.muli %add3A_96, %mul3A_117 : i32
        %dma_start3A_119 = tpu.memref_slice %arg6[%mul3A_118] : memref<10000xi32, #tpu.memory_space<vmem>> -> memref<80xi32, #tpu.memory_space<vmem>>
        %dma_start3A_120 = arith.constant 0 : i32
        %dma_start3A_121 = arith.constant 0 : i32
        %dma_start3A_122 = tpu.memref_slice %arg2[%dma_start3A_120, %dma_start3A_121] : memref<10000x128xf32, #tpu.memory_space<hbm>> -> memref<10000x128xf32, #tpu.memory_space<hbm>>
        tpu.enqueue_indirect_dma source(%dma_start3A_122 : memref<10000x128xf32, #tpu.memory_space<hbm>>) target(%arg10 : memref<80x128xf32, #tpu.memory_space<vmem>>) offsets(%dma_start3A_119 : memref<80xi32, #tpu.memory_space<vmem>>) semaphore(%arg17 : memref<!tpu.dma_semaphore, #tpu.memory_space<semaphore_mem>>)
      } else {
      }
      %scan3A_111 = arith.constant 0 : i32
      scf.yield %scan3A_111 : i32
    }
    %scan3A_56 = arith.constant 62 : i32
    %dma_wait3A_57 = arith.constant 0 : i32
    %dma_wait3A_58 = tpu.memref_slice %arg6[%dma_wait3A_57] : memref<10000xi32, #tpu.memory_space<vmem>> -> memref<80xi32, #tpu.memory_space<vmem>>
    %dma_wait3A_59 = arith.constant 0 : i32
    %dma_wait3A_60 = arith.constant 0 : i32
    %dma_wait3A_61 = tpu.memref_slice %arg2[%dma_wait3A_59, %dma_wait3A_60] : memref<10000x128xf32, #tpu.memory_space<hbm>> -> memref<10000x128xf32, #tpu.memory_space<hbm>>
    tpu.wait_indirect_dma semaphore(%arg16 : memref<!tpu.dma_semaphore, #tpu.memory_space<semaphore_mem>>) src(%dma_wait3A_61 : memref<10000x128xf32, #tpu.memory_space<hbm>>) dst(%arg9 : memref<80x128xf32, #tpu.memory_space<vmem>>)
    %dma_wait3A_62 = arith.constant 0 : i32
    %dma_wait3A_63 = tpu.memref_slice %arg4[%dma_wait3A_62] : memref<320000xi32, #tpu.memory_space<hbm>> -> memref<80xi32, #tpu.memory_space<hbm>>
    %dma_wait3A_64 = arith.constant 0 : i32
    %dma_wait3A_65 = tpu.memref_slice %arg4[%dma_wait3A_64] : memref<320000xi32, #tpu.memory_space<hbm>> -> memref<80xi32, #tpu.memory_space<hbm>>
    tpu.wait_dma2 semaphore(%arg14 : memref<!tpu.dma_semaphore, #tpu.memory_space<semaphore_mem>>) src(%dma_wait3A_65 : memref<80xi32, #tpu.memory_space<hbm>>) dst(%arg7 : memref<80xi32, #tpu.memory_space<vmem>>)
    "tpu.region"() ({
      %run_scoped3A = tpu.sem_alloc : memref<!tpu.dma_semaphore, #tpu.memory_space<semaphore_mem>>
      %dma_start3A_74 = arith.constant 0 : i32
      %dma_start3A_75 = arith.constant 0 : i32
      %dma_start3A_76 = tpu.memref_slice %arg12[%dma_start3A_74, %dma_start3A_75] : memref<10240x128xf32, #tpu.memory_space<vmem_shared>> -> memref<10240x128xf32, #tpu.memory_space<vmem_shared>>
      tpu.enqueue_indirect_dma source(%arg9 : memref<80x128xf32, #tpu.memory_space<vmem>>) target(%dma_start3A_76 : memref<10240x128xf32, #tpu.memory_space<vmem_shared>>) offsets(%arg7 : memref<80xi32, #tpu.memory_space<vmem>>) semaphore(%run_scoped3A : memref<!tpu.dma_semaphore, #tpu.memory_space<semaphore_mem>>) {add = true}
      %dma_wait3A_77 = arith.constant 0 : i32
      %dma_wait3A_78 = arith.constant 0 : i32
      %dma_wait3A_79 = tpu.memref_slice %arg12[%dma_wait3A_77, %dma_wait3A_78] : memref<10240x128xf32, #tpu.memory_space<vmem_shared>> -> memref<10240x128xf32, #tpu.memory_space<vmem_shared>>
      tpu.wait_indirect_dma semaphore(%run_scoped3A : memref<!tpu.dma_semaphore, #tpu.memory_space<semaphore_mem>>) src(%arg9 : memref<80x128xf32, #tpu.memory_space<vmem>>) dst(%dma_wait3A_79 : memref<10240x128xf32, #tpu.memory_space<vmem_shared>>)
      tpu.yield
    }) : () -> ()
    %barrier3A_66 = arith.constant 0 : index
    tpu.barrier barrier_id(%barrier3A_66)
    %mul3A_67 = arith.constant 640 : i32
    %mul3A_68 = arith.muli %arg1, %mul3A_67 : i32
    %mul3A_69 = arith.constant 10240 : i32
    %mul3A_70 = arith.muli %arg0, %mul3A_69 : i32
    %mul3A_71 = arith.constant 640 : i32
    %mul3A_72 = arith.muli %arg1, %mul3A_71 : i32
    %add3A_73 = arith.addi %mul3A_70, %mul3A_72 : i32
    "tpu.region"() ({
      %run_scoped3A = tpu.sem_alloc : memref<!tpu.dma_semaphore, #tpu.memory_space<semaphore_mem>>
      %dma_start3A_74 = arith.constant 0 : i32
      %dma_start3A_75 = tpu.memref_slice %arg5[%add3A_73, %dma_start3A_74] : memref<20480x128xf32, #tpu.memory_space<hbm>> -> memref<640x128xf32, #tpu.memory_space<hbm>>
      %dma_start3A_76 = arith.constant 0 : i32
      %dma_start3A_77 = tpu.memref_slice %arg12[%mul3A_68, %dma_start3A_76] : memref<10240x128xf32, #tpu.memory_space<vmem_shared>> -> memref<640x128xf32, #tpu.memory_space<vmem_shared>>
      tpu.enqueue_dma source(%dma_start3A_77 : memref<640x128xf32, #tpu.memory_space<vmem_shared>>) target(%dma_start3A_75 : memref<640x128xf32, #tpu.memory_space<hbm>>) target_semaphore(%run_scoped3A : memref<!tpu.dma_semaphore, #tpu.memory_space<semaphore_mem>>)
      %dma_wait3A_78 = arith.constant 0 : i32
      %dma_wait3A_79 = tpu.memref_slice %arg5[%add3A_73, %dma_wait3A_78] : memref<20480x128xf32, #tpu.memory_space<hbm>> -> memref<640x128xf32, #tpu.memory_space<hbm>>
      %dma_wait3A_80 = arith.constant 0 : i32
      %dma_wait3A_81 = tpu.memref_slice %arg12[%mul3A_68, %dma_wait3A_80] : memref<10240x128xf32, #tpu.memory_space<vmem_shared>> -> memref<640x128xf32, #tpu.memory_space<vmem_shared>>
      tpu.wait_dma2 semaphore(%run_scoped3A : memref<!tpu.dma_semaphore, #tpu.memory_space<semaphore_mem>>) src(%dma_wait3A_81 : memref<640x128xf32, #tpu.memory_space<vmem_shared>>) dst(%dma_wait3A_79 : memref<640x128xf32, #tpu.memory_space<hbm>>)
      tpu.yield
    }) : () -> ()
    return
  }
}

module attributes {stable_mosaic.version = 14 : i64} {
  func.func @_tc1_body(%arg0: i32, %arg1: memref<1000x128xf32, #tpu.memory_space<vmem>>, %arg2: memref<128x128xf32, #tpu.memory_space<vmem>>, %arg3: memref<1000x128xf32, #tpu.memory_space<vmem>>) attributes {dimension_semantics = [#tpu.dimension_semantics<arbitrary>], iteration_bounds = array<i64: 10>, scalar_prefetch = 0 : i64, scratch_operands = 0 : i64, tpu.core_type = #tpu.core_type<tc>, window_params = [{transform_indices = @transform_0, window_bounds = array<i64: 1000, 128>}, {pipeline_mode = #tpu.pipeline_mode<synchronous>, transform_indices = @transform_1, window_bounds = array<i64: 128, 128>}, {transform_indices = @transform_2, window_bounds = array<i64: 1000, 128>}]} {
    %get3A = arith.constant 0 : index
    %get3A_0 = arith.constant 0 : index
    %get3A_1 = vector.load %arg1[%get3A, %get3A_0] : memref<1000x128xf32, #tpu.memory_space<vmem>>, vector<1000x128xf32>
    %get3A_2 = arith.constant 0 : index
    %get3A_3 = arith.constant 0 : index
    %get3A_4 = vector.load %arg2[%get3A_2, %get3A_3] : memref<128x128xf32, #tpu.memory_space<vmem>>, vector<128x128xf32>
    %dot_general3A = arith.constant dense<0.000000e+00> : vector<1000x128xf32>
    %dot_general3A_5 = tpu.matmul %get3A_1, %get3A_4, %dot_general3A {dimension_numbers = #tpu.dot_dimension_numbers<[1], [0], [0], [1], [0, 0, 1, 1], [], []>, transpose_lhs_hint = false} : vector<1000x128xf32>, vector<128x128xf32>, vector<1000x128xf32> -> vector<1000x128xf32>
    %swap3A = arith.constant 0 : index
    %swap3A_6 = arith.constant 0 : index
    %swap3A_7 = vector.load %arg3[%swap3A, %swap3A_6] : memref<1000x128xf32, #tpu.memory_space<vmem>>, vector<1000x128xf32>
    tpu.vector_store %arg3[%swap3A, %swap3A_6], %dot_general3A_5 {strides = array<i32>} : memref<1000x128xf32, #tpu.memory_space<vmem>>, vector<1000x128xf32>,
    return
  }
  func.func @transform_0(%arg0: i32) -> (i32, i32) {
    %c0_i32 = arith.constant 0 : i32
    %c0_i32_0 = arith.constant 0 : i32
    return %arg0, %c0_i32 : i32, i32
  }
  func.func @transform_1(%arg0: i32) -> (i32, i32) {
    %c0_i32 = arith.constant 0 : i32
    %c0_i32_0 = arith.constant 0 : i32
    %c0_i32_1 = arith.constant 0 : i32
    return %c0_i32, %c0_i32_0 : i32, i32
  }
  func.func @transform_2(%arg0: i32) -> (i32, i32) {
    %c0_i32 = arith.constant 0 : i32
    %c0_i32_0 = arith.constant 0 : i32
    return %arg0, %c0_i32 : i32, i32
  }
}

module attributes {stable_mosaic.version = 14 : i64} {
  func.func @_tc2_body(%arg0: i32, %arg1: memref<2x1000x128xf32, #tpu.memory_space<vmem>>, %arg2: memref<1000x128xf32, #tpu.memory_space<vmem>>, %arg3: memref<1000x1xf32, #tpu.memory_space<vmem>>, %arg4: memref<1x128xf32, #tpu.memory_space<vmem>>, %arg5: memref<128x128xf32, #tpu.memory_space<vmem>>, %arg6: memref<1000x128xf32, #tpu.memory_space<vmem>>) attributes {dimension_semantics = [#tpu.dimension_semantics<arbitrary>], iteration_bounds = array<i64: 10>, scalar_prefetch = 0 : i64, scratch_operands = 0 : i64, tpu.core_type = #tpu.core_type<tc>, window_params = [{transform_indices = @transform_0, window_bounds = array<i64: 2, 1000, 128>}, {transform_indices = @transform_1, window_bounds = array<i64: 1000, 128>}, {transform_indices = @transform_2, window_bounds = array<i64: 1000, 1>}, {pipeline_mode = #tpu.pipeline_mode<synchronous>, transform_indices = @transform_3, window_bounds = array<i64: 1, 128>}, {pipeline_mode = #tpu.pipeline_mode<synchronous>, transform_indices = @transform_4, window_bounds = array<i64: 128, 128>}, {transform_indices = @transform_5, window_bounds = array<i64: 1000, 128>}]} {
    %get3A = arith.constant 0 : index
    %get3A_0 = arith.constant 0 : index
    %get3A_1 = arith.constant 0 : index
    %get3A_2 = vector.load %arg1[%get3A, %get3A_0, %get3A_1] : memref<2x1000x128xf32, #tpu.memory_space<vmem>>, vector<1x1000x128xf32>
    %get3A_3 = vector.shape_cast %get3A_2 : vector<1x1000x128xf32> to vector<1000x128xf32>
    %get3A_4 = arith.constant 1 : index
    %get3A_5 = arith.constant 0 : index
    %get3A_6 = arith.constant 0 : index
    %get3A_7 = vector.load %arg1[%get3A_4, %get3A_5, %get3A_6] : memref<2x1000x128xf32, #tpu.memory_space<vmem>>, vector<1x1000x128xf32>
    %get3A_8 = vector.shape_cast %get3A_7 : vector<1x1000x128xf32> to vector<1000x128xf32>
    %add3A = arith.addf %get3A_3, %get3A_8 : vector<1000x128xf32>
    %get3A_9 = arith.constant 0 : index
    %get3A_10 = arith.constant 0 : index
    %get3A_11 = vector.load %arg3[%get3A_9, %get3A_10] : memref<1000x1xf32, #tpu.memory_space<vmem>>, vector<1000x1xf32>
    %get3A_12 = arith.constant 0 : index
    %get3A_13 = arith.constant 0 : index
    %get3A_14 = vector.load %arg2[%get3A_12, %get3A_13] : memref<1000x128xf32, #tpu.memory_space<vmem>>, vector<1000x128xf32>
    %add3A_15 = arith.addf %add3A, %get3A_14 : vector<1000x128xf32>
    %mul3A = vector.broadcast %get3A_11 : vector<1000x1xf32> to vector<1000x128xf32>
    %mul3A_16 = arith.mulf %mul3A, %add3A_15 : vector<1000x128xf32>
    %get3A_17 = arith.constant 0 : index
    %get3A_18 = arith.constant 0 : index
    %get3A_19 = vector.load %arg4[%get3A_17, %get3A_18] : memref<1x128xf32, #tpu.memory_space<vmem>>, vector<1x128xf32>
    %add3A_20 = vector.broadcast %get3A_19 : vector<1x128xf32> to vector<1000x128xf32>
    %add3A_21 = arith.addf %mul3A_16, %add3A_20 : vector<1000x128xf32>
    %max3A = arith.constant 0.000000e+00 : f32
    %max3A_22 = vector.broadcast %max3A : f32 to vector<1000x128xf32>
    %max3A_23 = arith.maximumf %add3A_21, %max3A_22 : vector<1000x128xf32>
    %get3A_24 = arith.constant 0 : index
    %get3A_25 = arith.constant 0 : index
    %get3A_26 = vector.load %arg3[%get3A_24, %get3A_25] : memref<1000x1xf32, #tpu.memory_space<vmem>>, vector<1000x1xf32>
    %mul3A_27 = vector.broadcast %get3A_26 : vector<1000x1xf32> to vector<1000x128xf32>
    %mul3A_28 = arith.mulf %mul3A_27, %max3A_23 : vector<1000x128xf32>
    %get3A_29 = arith.constant 0 : index
    %get3A_30 = arith.constant 0 : index
    %get3A_31 = vector.load %arg5[%get3A_29, %get3A_30] : memref<128x128xf32, #tpu.memory_space<vmem>>, vector<128x128xf32>
    %dot_general3A = arith.constant dense<0.000000e+00> : vector<1000x128xf32>
    %dot_general3A_32 = tpu.matmul %mul3A_28, %get3A_31, %dot_general3A {dimension_numbers = #tpu.dot_dimension_numbers<[1], [0], [0], [1], [0, 0, 1, 1], [], []>, transpose_lhs_hint = false} : vector<1000x128xf32>, vector<128x128xf32>, vector<1000x128xf32> -> vector<1000x128xf32>
    %swap3A = arith.constant 0 : index
    %swap3A_33 = arith.constant 0 : index
    %swap3A_34 = vector.load %arg6[%swap3A, %swap3A_33] : memref<1000x128xf32, #tpu.memory_space<vmem>>, vector<1000x128xf32>
    tpu.vector_store %arg6[%swap3A, %swap3A_33], %dot_general3A_32 {strides = array<i32>} : memref<1000x128xf32, #tpu.memory_space<vmem>>, vector<1000x128xf32>,
    return
  }
  func.func @transform_0(%arg0: i32) -> (i32, i32, i32) {
    %c0_i32 = arith.constant 0 : i32
    %c0_i32_0 = arith.constant 0 : i32
    %c0_i32_1 = arith.constant 0 : i32
    return %c0_i32, %arg0, %c0_i32_0 : i32, i32, i32
  }
  func.func @transform_1(%arg0: i32) -> (i32, i32) {
    %c0_i32 = arith.constant 0 : i32
    %c0_i32_0 = arith.constant 0 : i32
    return %arg0, %c0_i32 : i32, i32
  }
  func.func @transform_2(%arg0: i32) -> (i32, i32) {
    %c0_i32 = arith.constant 0 : i32
    %c0_i32_0 = arith.constant 0 : i32
    return %arg0, %c0_i32 : i32, i32
  }
  func.func @transform_3(%arg0: i32) -> (i32, i32) {
    %c0_i32 = arith.constant 0 : i32
    %c0_i32_0 = arith.constant 0 : i32
    %c0_i32_1 = arith.constant 0 : i32
    return %c0_i32, %c0_i32_0 : i32, i32
  }
  func.func @transform_4(%arg0: i32) -> (i32, i32) {
    %c0_i32 = arith.constant 0 : i32
    %c0_i32_0 = arith.constant 0 : i32
    %c0_i32_1 = arith.constant 0 : i32
    return %c0_i32, %c0_i32_0 : i32, i32
  }
  func.func @transform_5(%arg0: i32) -> (i32, i32) {
    %c0_i32 = arith.constant 0 : i32
    %c0_i32_0 = arith.constant 0 : i32
    return %arg0, %c0_i32 : i32, i32
  }
}

module attributes {stable_mosaic.version = 14 : i64} {
  func.func @_tc3_body(%arg0: i32, %arg1: memref<2x1000x128xf32, #tpu.memory_space<vmem>>, %arg2: memref<1000x128xf32, #tpu.memory_space<vmem>>, %arg3: memref<1000x1xf32, #tpu.memory_space<vmem>>, %arg4: memref<1x128xf32, #tpu.memory_space<vmem>>, %arg5: memref<1000x128xf32, #tpu.memory_space<vmem>>) attributes {dimension_semantics = [#tpu.dimension_semantics<arbitrary>], iteration_bounds = array<i64: 10>, scalar_prefetch = 0 : i64, scratch_operands = 0 : i64, tpu.core_type = #tpu.core_type<tc>, window_params = [{transform_indices = @transform_0, window_bounds = array<i64: 2, 1000, 128>}, {transform_indices = @transform_1, window_bounds = array<i64: 1000, 128>}, {transform_indices = @transform_2, window_bounds = array<i64: 1000, 1>}, {pipeline_mode = #tpu.pipeline_mode<synchronous>, transform_indices = @transform_3, window_bounds = array<i64: 1, 128>}, {transform_indices = @transform_4, window_bounds = array<i64: 1000, 128>}]} {
    %get3A = arith.constant 0 : index
    %get3A_0 = arith.constant 0 : index
    %get3A_1 = arith.constant 0 : index
    %get3A_2 = vector.load %arg1[%get3A, %get3A_0, %get3A_1] : memref<2x1000x128xf32, #tpu.memory_space<vmem>>, vector<1x1000x128xf32>
    %get3A_3 = vector.shape_cast %get3A_2 : vector<1x1000x128xf32> to vector<1000x128xf32>
    %get3A_4 = arith.constant 1 : index
    %get3A_5 = arith.constant 0 : index
    %get3A_6 = arith.constant 0 : index
    %get3A_7 = vector.load %arg1[%get3A_4, %get3A_5, %get3A_6] : memref<2x1000x128xf32, #tpu.memory_space<vmem>>, vector<1x1000x128xf32>
    %get3A_8 = vector.shape_cast %get3A_7 : vector<1x1000x128xf32> to vector<1000x128xf32>
    %add3A = arith.addf %get3A_3, %get3A_8 : vector<1000x128xf32>
    %get3A_9 = arith.constant 0 : index
    %get3A_10 = arith.constant 0 : index
    %get3A_11 = vector.load %arg3[%get3A_9, %get3A_10] : memref<1000x1xf32, #tpu.memory_space<vmem>>, vector<1000x1xf32>
    %get3A_12 = arith.constant 0 : index
    %get3A_13 = arith.constant 0 : index
    %get3A_14 = vector.load %arg2[%get3A_12, %get3A_13] : memref<1000x128xf32, #tpu.memory_space<vmem>>, vector<1000x128xf32>
    %add3A_15 = arith.addf %add3A, %get3A_14 : vector<1000x128xf32>
    %mul3A = vector.broadcast %get3A_11 : vector<1000x1xf32> to vector<1000x128xf32>
    %mul3A_16 = arith.mulf %mul3A, %add3A_15 : vector<1000x128xf32>
    %get3A_17 = arith.constant 0 : index
    %get3A_18 = arith.constant 0 : index
    %get3A_19 = vector.load %arg4[%get3A_17, %get3A_18] : memref<1x128xf32, #tpu.memory_space<vmem>>, vector<1x128xf32>
    %add3A_20 = vector.broadcast %get3A_19 : vector<1x128xf32> to vector<1000x128xf32>
    %add3A_21 = arith.addf %mul3A_16, %add3A_20 : vector<1000x128xf32>
    %max3A = arith.constant 0.000000e+00 : f32
    %max3A_22 = vector.broadcast %max3A : f32 to vector<1000x128xf32>
    %max3A_23 = arith.maximumf %add3A_21, %max3A_22 : vector<1000x128xf32>
    %swap3A = arith.constant 0 : index
    %swap3A_24 = arith.constant 0 : index
    %swap3A_25 = vector.load %arg5[%swap3A, %swap3A_24] : memref<1000x128xf32, #tpu.memory_space<vmem>>, vector<1000x128xf32>
    tpu.vector_store %arg5[%swap3A, %swap3A_24], %max3A_23 {strides = array<i32>} : memref<1000x128xf32, #tpu.memory_space<vmem>>, vector<1000x128xf32>,
    return
  }
  func.func @transform_0(%arg0: i32) -> (i32, i32, i32) {
    %c0_i32 = arith.constant 0 : i32
    %c0_i32_0 = arith.constant 0 : i32
    %c0_i32_1 = arith.constant 0 : i32
    return %c0_i32, %arg0, %c0_i32_0 : i32, i32, i32
  }
  func.func @transform_1(%arg0: i32) -> (i32, i32) {
    %c0_i32 = arith.constant 0 : i32
    %c0_i32_0 = arith.constant 0 : i32
    return %arg0, %c0_i32 : i32, i32
  }
  func.func @transform_2(%arg0: i32) -> (i32, i32) {
    %c0_i32 = arith.constant 0 : i32
    %c0_i32_0 = arith.constant 0 : i32
    return %arg0, %c0_i32 : i32, i32
  }
  func.func @transform_3(%arg0: i32) -> (i32, i32) {
    %c0_i32 = arith.constant 0 : i32
    %c0_i32_0 = arith.constant 0 : i32
    %c0_i32_1 = arith.constant 0 : i32
    return %c0_i32, %c0_i32_0 : i32, i32
  }
  func.func @transform_4(%arg0: i32) -> (i32, i32) {
    %c0_i32 = arith.constant 0 : i32
    %c0_i32_0 = arith.constant 0 : i32
    return %arg0, %c0_i32 : i32, i32
  }
}

</mosaic_0001>

<sc_bundles>
// kernel: kernel.11.cloned.1.call-start
scs
__scs_entry_jumppad:
0x0: {  	(pc) =	sbr.rel $0x88, $3  }
0x1: {  	(tag) =	ssettag $0x0;
	lr =	simm.s32 $0x1  }
0x2: {  	[smem:$0x3F9B] =	sst lr;
	_ =	strace $0xD0000000  }
0x3: {  	_ = 	snop  }
0x4: {  	_ = 	snop  }
0x5: {  	_ = 	snop  }
0x6: {  	_ = 	snop  }
0x7: {  	_ = 	snop  }
__scs_overlays_trampoline_lowered:
0x8: {  	[smem:$0x3FAA] =	sst s0  }
0x9: {  	[smem:$0x3FAB] =	sst s1  }
0xa: {  	[smem:$0x3FAC] =	sst s2  }
0xb: {  	[smem:$0x3FAD] =	sst s3  }
0xc: {  	[smem:$0x3FAE] =	sst s4  }
0xd: {  	[smem:$0x3FAF] =	sst s5  }
0xe: {  	[smem:$0x3FB0] =	sst s6  }
0xf: {  	[smem:$0x3FB1] =	sst s7  }
0x10: {  	[smem:$0x3FB2] =	sst s8  }
0x11: {  	[smem:$0x3FB3] =	sst s9;
	s0 =	simm.s32 @!p0 $0x0  }
0x12: {  	s1 =	sld [smem:$0x3F99];
	s0 =	simm.s32 @p0 $0x1  }
0x13: {  	[smem:$0x3FB4] =	sst s0;
	s0 =	simm.s32 @!p1 $0x0  }
0x14: {  	s2 =	sld [smem:$0x3F98];
	s0 =	simm.s32 @p1 $0x1  }
0x15: {  	[smem:$0x3FB5] =	sst s0;
	s0 =	simm.s32 @!p2 $0x0  }
0x16: {  	s3 =	sld [smem:$0x3FDB];
	s0 =	simm.s32 @p2 $0x1  }
0x17: {  	s4 =	simm.s32 $0x1BF5;
	[smem:$0x3FB7] =	sst s0  }
0x18: {  	s0 =	sld [smem:$0x3F9A];
	_ =	swait.ge [sflag:s4], $0x0  }
0x19: {  	s7 =	sld [smem:$0x3F9B]  }
0x1a: {  	s8 =	sadd.s32 $0xFFFFE003, lr  }
0x1b: {  	s9 =	sadd.s32 $0xFFFFFEF7, lr;
	s5 =	simm.s32 $0xFFFFFFFF;
	p2 =	slt.u32 s8, $0xFFFFF086  }
0x1c: {  	p1 =	slt.u32 s9, $0xF7A;
	s5 =	simm.s32 @!p2 $0x0  }
0x1d: {  	s5 =	simm.s32 @p1 $0x1;
	p0 =	seq.s32 s7, s2  }
0x1e: {  	s7 =	smul.u32 @!p0 $0xF7A, s2;
	p2 =	seq.s32 @!p0 s5, $0x0  }
0x1f: {  	s9 =	smul.u32 $0xF7A, s1;
	s8 =	simm.s32 @!p0 $0x1BF5;
	p2 =	por !p2, p0  }
0x20: {  	[sflag:s8] =	ssyncset.s32 @!p0 $0xFFFFF086;
	s6 =	sadd.s32 @!p0 s3, s7;
	s7 =	simm.s32 @!p0 $0x108  }
0x21: {  	s3 =	sadd.s32 s3, s9;
	s6 =	sadd.s32 @!p0 $0x88, s6;
	s7 =	simm.s32 @p2 $0x1082  }
0x22: {  	[simem:s7], [sflag:s8] =	dma.local @!p0 [hbm:s6], $0xF7A  }
0x23: {  	s9 =	sor.u32 $0xD0000000, s2;
	s6 =	simm.s32 $0x108;
	_ =	swait.ge @!p0 [sflag:s8], $0x0  }
0x24: {  	s3 =	sadd.s32 $0x88, s3;
	s6 =	simm.s32 @!p1 $0x1082;
	[sflag:s4] =	ssyncset.s32 $0xFFFFF086  }
0x25: {  	[simem:s6], [sflag:s4] =	dma.local [hbm:s3], $0xF7A  }
0x26: {  	[smem:$0x3F9B] =	sst s1;
	(tag) =	ssettag s2;
	_ =	strace s9  }
0x27: {  	s1 =	sld [smem:$0x3FAB]  }
0x28: {  	s2 =	sld [smem:$0x3FAC]  }
0x29: {  	s4 =	sld [smem:$0x3FAE]  }
0x2a: {  	p0 =	seq.s32 s5, $0x0;
	s5 =	sld [smem:$0x3FAF]  }
0x2b: {  	s6 =	sld [smem:$0x3FB0]  }
0x2c: {  	s7 =	sld [smem:$0x3FB1]  }
0x2d: {  	s3 =	simm.s32 $0x108;
	s8 =	sld [smem:$0x3FB2]  }
0x2e: {  	s3 =	simm.s32 @!p0 $0x1082;
	s9 =	sld [smem:$0x3FB3]  }
0x2f: {  	lr =	sadd.s32 s0, s3;
	s0 =	sld [smem:$0x3FAA]  }
0x30: {  	s3 =	sld [smem:$0x3FAD]  }
0x31: {  	[smem:$0x3FB6] =	sst s10  }
0x32: {  	s10 =	sld [smem:$0x3FB4];
	_ =	sdelay $0x3  }
0x33: {  	p0 =	seq.s32 s10, $0x1;
	s10 =	sld [smem:$0x3FB6];
	_ =	sdelay $0x3  }
0x34: {  	[smem:$0x3FB6] =	sst s10  }
0x35: {  	s10 =	sld [smem:$0x3FB5];
	_ =	sdelay $0x3  }
0x36: {  	p1 =	seq.s32 s10, $0x1;
	s10 =	sld [smem:$0x3FB6];
	_ =	sdelay $0x3  }
0x37: {  	[smem:$0x3FB6] =	sst s10  }
0x38: {  	s10 =	sld [smem:$0x3FB7]  }
0x39: {  	_ = 	snop;
	(pc) =	sbr.ind lr, $3  }
0x3a: {  	_ = 	snop  }
0x3b: {  	_ = 	snop  }
0x3c: {  	p2 =	seq.s32 s10, $0x1;
	s10 =	sld [smem:$0x3FB6]  }
0x3d: {  	_ =	shalt  }
0x3e: {  	_ =	shalt  }
0x3f: {  	_ =	shalt  }
0x40: {  	_ =	shalt  }
0x41: {  	_ =	shalt  }
0x42: {  	_ =	shalt  }
0x43: {  	_ =	shalt  }
0x44: {  	_ =	shalt  }
0x45: {  	_ =	shalt  }
0x46: {  	_ =	shalt  }
0x47: {  	_ =	shalt  }
0x48: {  	_ =	shalt  }
0x49: {  	_ =	shalt  }
0x4a: {  	_ =	shalt  }
0x4b: {  	_ =	shalt  }
0x4c: {  	_ =	shalt  }
0x4d: {  	_ =	shalt  }
0x4e: {  	_ =	shalt  }
0x4f: {  	_ =	shalt  }
0x50: {  	_ =	shalt  }
0x51: {  	_ =	shalt  }
0x52: {  	_ =	shalt  }
0x53: {  	_ =	shalt  }
0x54: {  	_ =	shalt  }
0x55: {  	_ =	shalt  }
0x56: {  	_ =	shalt  }
0x57: {  	_ =	shalt  }
0x58: {  	_ =	shalt  }
0x59: {  	_ =	shalt  }
0x5a: {  	_ =	shalt  }
0x5b: {  	_ =	shalt  }
0x5c: {  	_ =	shalt  }
0x5d: {  	_ =	shalt  }
0x5e: {  	_ =	shalt  }
0x5f: {  	_ =	shalt  }
0x60: {  	_ =	shalt  }
0x61: {  	_ =	shalt  }
0x62: {  	_ =	shalt  }
0x63: {  	_ =	shalt  }
0x64: {  	_ =	shalt  }
0x65: {  	_ =	shalt  }
0x66: {  	_ =	shalt  }
0x67: {  	_ =	shalt  }
0x68: {  	_ =	shalt  }
0x69: {  	_ =	shalt  }
0x6a: {  	_ =	shalt  }
0x6b: {  	_ =	shalt  }
0x6c: {  	_ =	shalt  }
0x6d: {  	_ =	shalt  }
0x6e: {  	_ =	shalt  }
0x6f: {  	_ =	shalt  }
0x70: {  	_ =	shalt  }
0x71: {  	_ =	shalt  }
0x72: {  	_ =	shalt  }
0x73: {  	_ =	shalt  }
0x74: {  	_ =	shalt  }
0x75: {  	_ =	shalt  }
0x76: {  	_ =	shalt  }
0x77: {  	_ =	shalt  }
0x78: {  	_ =	shalt  }
0x79: {  	_ =	shalt  }
0x7a: {  	_ =	shalt  }
0x7b: {  	_ =	shalt  }
0x7c: {  	_ =	shalt  }
0x7d: {  	_ =	shalt  }
0x7e: {  	_ =	shalt  }
0x7f: {  	_ =	shalt  }
0x80: {  	_ =	shalt  }
0x81: {  	_ =	shalt  }
0x82: {  	_ =	shalt  }
0x83: {  	_ =	shalt  }
0x84: {  	_ =	shalt  }
0x85: {  	_ =	shalt  }
0x86: {  	_ =	shalt  }
0x87: {  	_ =	shalt  }
.Lfunc_end0:
.L_simem_size_0:
called_computation.1_lowered:
.L_overlay_start_0:
0x88: {  	s2 =	sld [smem:$0x3FD9]  }
0x89: {  	s3 =	sld [smem:$0x3FFE];
	_ =	sdelay $0x1  }
0x8a: {  	s1 =	srdreg.scid  }
0x8b: {  	s0 =	sand.u32 $0x1, s1  }
0x8c: {  	s17 =	sshll.u32 s0, $0xA;
	s2 =	sadd.s32 s3, s2  }
0x8d: {  	s2 =	sadd.s32 s2, s17  }
0x8e: {  	[smem:$0x3FC2] =	sst s2  }
0x8f: {  	_ = 	snop  }
0x90: {  	s2 =	sld [smem:$0x3FD0];
	(tm) =	ssettm $0x1  }
0x91: {  	s18 =	sld [smem:$0x3FFB];
	_ =	sdelay $0x3  }
0x92: {  	_ =	strace s18  }
0x93: {  	s3 =	sld [smem:$0x3FFC];
	_ =	sdelay $0x3  }
0x94: {  	_ =	strace s3  }
0x95: {  	s3 =	sld [smem:$0x3FFD];
	_ =	sdelay $0x3  }
0x96: {  	_ =	strace s3  }
0x97: {  	_ =	strace $0x8FFFFFFF  }
0x98: {  	s19 =	sld [smem:$0x3FDB];
	_ =	sdelay $0x1  }
0x99: {  	s4 =	simm.s32 $_scs_section_size  }
0x9a: {  	s5 =	simm.s32 $_size__tile_overlayer_lowered;
	s6 =	simm.s32 $_tile_overlayer_lowered  }
0x9b: {  	s22 =	simm.s32 $0x1BFF;
	s21 =	sshll.u32 s6, $0x1;
	s3 =	sadd.s32 s4, s19  }
0x9c: {  	s7 =	simm.s32 $0x0;
	s20 =	sshll.u32 s5, $0x1;
	s5 =	sadd.s32 s21, s3  }
0x9d: {  	[timem:s7], [sflag:s22] =	dma.local [hbm:s5], s20  }
0x9e: {  	_ =	swait.ge [sflag:s22], s20  }
0x9f: {  	s4 =	ssub.s32 $0x0, s20;
	[sflag:s22] =	ssyncset.done $0x0  }
0xa0: {  	[sflag:s22] =	ssyncadd.s32 s4;
	_ =	sdelay $0x1  }
0xa1: {  	s23 =	simm.s32 $0x1B8B  }
0xa2: {  	_ =	swait.ge [sflag:s23], $0x1  }
0xa3: {  	[sflag:s23] =	ssyncset.done $0x0  }
0xa4: {  	s25 =	simm.s32 $0x1B8E;
	s24 =	sld [smem:$0x3FFE];
	[sflag:s23] =	ssyncadd.s32 $0xFFFFFFFF  }
0xa5: {  	s26 =	simm.s32 $execute0_lowered;
	[smem:$0x3FD2] =	sst s25  }
0xa6: {  	s5 =	sshll.u32 s26, $0x1;
	_ =	strace $0x80000049;
	[dreg:$0x1] =	wrdreg $0xFFFFFFFF  }
0xa7: {  	s28 =	simm.s32 $_size_execute0_lowered;
	s3 =	sadd.s32 s3, s5;
	[dreg:$0x0] =	wrdreg $0x0  }
0xa8: {  	s5 =	sshll.u32 s28, $0x1;
	[dreg:$0x2] =	wrdreg s3  }
0xa9: {  	[dreg:$0x3] =	wrdreg s5  }
0xaa: {  	[dreg:$0x4] =	wrdreg $0xC0  }
0xab: {  	_ =	task [dreg:s7], $0x5FFFF  }
0xac: {  	[dreg:$0x1] =	wrdreg $0xFFFFFFFF  }
0xad: {  	[dreg:$0x0] =	wrdreg $0x60  }
0xae: {  	[dreg:$0x2] =	wrdreg s2  }
0xaf: {  	[dreg:$0x3] =	wrdreg s24  }
0xb0: {  	[dreg:$0x4] =	wrdreg $0xB8800  }
0xb1: {  	[dreg:$0x5] =	wrdreg $0x9  }
0xb2: {  	_ =	task.clear_ibuf [dreg:s7], $0x6FFFF;
	_ =	strace $0x90000049  }
0xb3: {  	s29 =	simm.s32 $0x9;
	_ =	strace $0x8000004B  }
0xb4: {  	_ =	swait.ge [sflag:s29], $0x1  }
0xb5: {  	[sflag:s29] =	ssyncadd.s32 $0xFFFFFFFF  }
0xb6: {  	_ =	strace $0x9000004B  }
0xb7: {  	_ =	sfence  }
0xb8: {  	s30 =	sld [smem:$0x0];
	_ =	sdelay $0x2  }
0xb9: {  	s31 =	sshll.u32 s1, $0xD;
	s1 =	sshrl.u32 s1, $0x2  }
0xba: {  	s3 =	sand.u32 $0x4000, s31;
	s1 =	sadd.s32 s1, s30  }
0xbb: {  	s0 =	sor.u32 s3, s0;
	s1 =	sshll.u32 s1, $0x11  }
0xbc: {  	s0 =	sor.u32 s1, s0  }
0xbd: {  	s0 =	sadd.s32 $0x8F2B, s0  }
0xbe: {  	[sflag:s0] =	ssyncadd.remote.s32 $0x1  }
0xbf: {  	_ =	sfence.sel $0xFFFF  }
0xc0: {  	[dreg:$0x0] =	wrdreg $0xFFFFFFFF;
	(pc) =	sbr.abs _section_cstart, $3  }
0xc1: {  	[dreg:$0x1] =	wrdreg $0xFFFFFFFF  }
0xc2: {  	_ =	task.clear_ibuf [dreg:s7], $0x2FFFF;
	_ =	strace $0x9FFFFFFF  }
0xc3: {  	(tm) =	ssettm $0x7FFFFFFF  }
tec
execute0_lowered:
.L_overlay_start_1:
0x0: {  	(tag) =	ssettag $0x1  }
0x1: {  	s1 =	rddreg [dreg:$0x0]  }
0x2: {  	s0 =	srdreg.scid;
	s6 =	rddreg [dreg:$0x1]  }
0x3: {  	s11 =	stileid.u32;
	s3 =	rddreg [dreg:$0x2];
	s4 =	simm.s32 $0x0  }
0x4: {  	s19 =	simm.s32 $0x7880;
	s28 =	simm.s32 $0x4;
	s29 =	simm.s32 $0x2  }
0x5: {  	s30 =	simm.s32 $0x5;
	s31 =	simm.s32 $0x3;
	s5 =	smul.u32 $0x2800, s11  }
0x6: {  	s0 =	sand.u32 $0x1, s0;
	[smem:$0x7FF] =	sst s4;
	s8 =	smul.u32 $0x50000, s11  }
0x7: {  	s2 =	sshll.u32 s0, $0x4;
	s7 =	smul.u32 $0x28000, s0;
	_ =	strace $0x8000004A  }
0x8: {  	s10 =	ssub.s32 $0x2, s0;
	s0 =	smul.u32 $0x27100, s0;
	s2 =	sor.u32 s11, s2  }
0x9: {  	s20 =	sshrl.u32 s8, $0x2;
	s21 =	sshrl.u32 s10, $0x1;
	s11 =	smul.u32 $0x2710, s11  }
0xa: {  	s2 =	smul.u32 $0x2710, s2;
	s7 =	sadd.s32 s5, s7;
	s5 =	sadd.s32 $0xBA00, s6  }
0xb: {  	s8 =	ssub.s32 s10, s21;
	s21 =	simm.s32 $0x2780;
	s7 =	sadd.s32 s7, s6  }
0xc: {  	s0 =	sadd.s32 s11, s0;
	s15 =	smax.u32 s8, $0x1;
	s2 =	sshrl.u32 s2, $0x3  }
0xd: {  	s26 =	sadd.s32 $0xF0, s0;
	s14 =	sadd.s32 $0x15800, s7;
	s18 =	sadd.s32 $0xA0, s0  }
0xe: {  	s0 =	simm.s32 $0x0;
	s9 =	sadd.s32 s2, s6;
	s6 =	sadd.s32 s20, s3  }
0xf: {  	s12 =	sadd.s32 s5, s2;
	s2 =	sshrl.u32 s26, $0x3;
	s9 =	sadd.s32 $0x1C00, s9  }
0x10: {  	s20 =	simm.s32 $0x6;
	s22 =	sadd.s32 $0x4000, s6;
	[dreg:$0x4] =	wrdreg s9  }
0x11: {  	s26 =	simm.s32 $0x5080;
	s23 =	sadd.s32 $0x8000, s6;
	[dreg:$0x5] =	wrdreg s22  }
0x12: {  	s24 =	sadd.s32 $0xC000, s6;
	s25 =	sadd.s32 $0x10000, s6;
	[dreg:$0x6] =	wrdreg s23  }
0x13: {  	s13 =	sadd.s32 $0xA, s12;
	s16 =	sadd.s32 $0x4D8, s12;
	[dreg:$0x7] =	wrdreg s24  }
0x14: {  	s17 =	sadd.s32 s2, s5;
	[dreg:$0x8] =	wrdreg s25;
	s22 =	simm.s32 $0x2800  }
0x15: {  	v0 =	vimm.f32 $0.0e+00;
	s23 =	simm.s32 $0x1;
	s24 =	simm.s32 $0x50;
	s25 =	simm.s32 $0x2880  }
.LBB2_1:
0x16: {  	s2 =	rddreg [dreg:$0x4]  }
0x17: {  	[tilespmem:s4], [sflag:$0x1] =	stream.linear.gather [hbm4b:s2+s4], $0x2710, $0x38;
	[tilespmem:$0x1F880] =	vst v63  }
0x18: {  	s7 =	simm.s32 $0x200;
	s2 =	simm.s32 $0x0  }
.LBB2_2:
0x19: {  	p0 =	sne.s32 s7, $0xFE00;
	[tilespmem:s2+$0x78F0] =	vst v0  }
0x1a: {  	[tilespmem:s2+$0x7880] =	vst v0  }
0x1b: {  	[tilespmem:s2+$0x7890] =	vst v0  }
.Ltmp0:
0x1c: {  	[tilespmem:s2+$0x78A0] =	vst v0;
	(pc) =	sbr.rel @p0 .LBB2_2-.Ltmp0, $4  }
0x1d: {  	[tilespmem:s2+$0x78B0] =	vst v0  }
0x1e: {  	[tilespmem:s2+$0x78C0] =	vst v0  }
0x1f: {  	[tilespmem:s2+$0x78D0] =	vst v0  }
0x20: {  	[tilespmem:s2+$0x78E0] =	vst v0;
	s2 =	sshra.s32 s7, $0x2;
	s7 =	sadd.s32 $0x200, s7  }
0x21: {  	[tilespmem:s2+$0x78F0] =	vst v0  }
0x22: {  	[tilespmem:s2+$0x7880] =	vst v0  }
0x23: {  	[tilespmem:s2+$0x7890] =	vst v0  }
0x24: {  	[tilespmem:s2+$0x78A0] =	vst v0  }
0x25: {  	[tilespmem:s2+$0x78B0] =	vst v0  }
0x26: {  	[tilespmem:s2+$0x78C0] =	vst v0  }
0x27: {  	[tilespmem:s2+$0x78D0] =	vst v0  }
0x28: {  	[tilespmem:s2+$0x78E0] =	vst v0  }
0x29: {  	[spmem:s6] =	stream.linear.scatter [tilespmem:s19], [sflag:$0x6], $0x4000, $0x38;
	[tilespmem:$0x1F880] =	vst v63  }
0x2a: {  	_ =	swait.ge [sflag:s20], $0x4000  }
0x2b: {  	[sflag:s20] =	ssyncset.done $0x0  }
0x2c: {  	s9 =	rddreg [dreg:$0x5];
	[sflag:s20] =	ssyncadd.s32 $0xFFFFC000  }
0x2d: {  	[spmem:s9] =	stream.linear.scatter [tilespmem:s19], [sflag:$0x6], $0x4000, $0x38;
	[tilespmem:$0x1F880] =	vst v63  }
0x2e: {  	_ =	swait.ge [sflag:s20], $0x4000  }
0x2f: {  	[sflag:s20] =	ssyncset.done $0x0  }
0x30: {  	s10 =	rddreg [dreg:$0x6];
	[sflag:s20] =	ssyncadd.s32 $0xFFFFC000  }
0x31: {  	[spmem:s10] =	stream.linear.scatter [tilespmem:s19], [sflag:$0x6], $0x4000, $0x38;
	[tilespmem:$0x1F880] =	vst v63  }
0x32: {  	_ =	swait.ge [sflag:s20], $0x4000  }
0x33: {  	[sflag:s20] =	ssyncset.done $0x0  }
0x34: {  	s11 =	rddreg [dreg:$0x7];
	[sflag:s20] =	ssyncadd.s32 $0xFFFFC000  }
0x35: {  	[spmem:s11] =	stream.linear.scatter [tilespmem:s19], [sflag:$0x6], $0x4000, $0x38;
	[tilespmem:$0x1F880] =	vst v63  }
0x36: {  	_ =	swait.ge [sflag:s20], $0x4000  }
0x37: {  	[sflag:s20] =	ssyncset.done $0x0  }
0x38: {  	s7 =	rddreg [dreg:$0x8];
	[sflag:s20] =	ssyncadd.s32 $0xFFFFC000  }
0x39: {  	[spmem:s7] =	stream.linear.scatter [tilespmem:s19], [sflag:$0x6], $0x4000, $0x38;
	[tilespmem:$0x1F880] =	vst v63  }
0x3a: {  	_ =	swait.ge [sflag:s20], $0x4000  }
0x3b: {  	[sflag:s20] =	ssyncset.done $0x0  }
0x3c: {  	s8 =	simm.s32 $0x0;
	[sflag:s20] =	ssyncadd.s32 $0xFFFFC000  }
0x3d: {  	[tilespmem:s21], [sflag:$0x2] =	stream.linear.gather [hbm4b:s12+s8], $0x50, $0x38;
	[tilespmem:$0x1F880] =	vst v63  }
0x3e: {  	_ = 	snop  }
0x3f: {  	[tilespmem:s22], [sflag:$0x3] =	stream.linear.gather [hbm4b:s13+s8], $0x50, $0x38;
	[tilespmem:$0x1F880] =	vst v63  }
0x40: {  	_ =	swait.ge [sflag:s23], $0x2710  }
0x41: {  	[sflag:s23] =	ssyncset.done $0x0  }
0x42: {  	[sflag:s23] =	ssyncadd.s32 $0xFFFFD8F0  }
0x43: {  	[tilespmem:s25], [sflag:$0x4] =	stream.indirect.gather [hbm4b:s1+s24], $0x80, s8, s24, $0xb8;
	[tilespmem:$0x1F880] =	vst v63  }
0x44: {  	_ = 	snop  }
0x45: {  	[tilespmem:s26], [sflag:$0x5] =	stream.indirect.gather [hbm4b:s1+s24], $0x80, s24, s24, $0xb8;
	[tilespmem:$0x1F880] =	vst v63  }
0x46: {  	[bflag:$0x0] =	sbarrier.arrive $0xFFFF  }
0x47: {  	_ =	swait.ge [sflag:s28], $0x2800  }
0x48: {  	[sflag:s28] =	ssyncset.done $0x0  }
0x49: {  	[sflag:s28] =	ssyncadd.s32 $0xFFFFD800  }
0x4a: {  	_ =	swait.ge [sflag:s29], $0x50  }
0x4b: {  	[sflag:s29] =	ssyncset.done $0x0  }
0x4c: {  	[sflag:s29] =	ssyncadd.s32 $0xFFFFFFB0  }
0x4d: {  	[spmem:s3] =	stream.indirect.scatter.add.f32 [tilespmem:s25], [sflag:$0x6], $0x80, s21, s24, $0xb8;
	[tilespmem:$0x1F880] =	vst v63  }
0x4e: {  	_ =	swait.ge [sflag:s20], $0x2800  }
0x4f: {  	s9 =	sshrl.u32 s18, $0x3;
	[sflag:s20] =	ssyncset.done $0x0  }
0x50: {  	s2 =	sadd.s32 s5, s9;
	[sflag:s20] =	ssyncadd.s32 $0xFFFFD800  }
0x51: {  	[tilespmem:s21], [sflag:$0x2] =	stream.linear.gather [hbm4b:s2+s4], $0x50, $0x38;
	[tilespmem:$0x1F880] =	vst v63  }
0x52: {  	s10 =	simm.s32 $0xA0  }
0x53: {  	[tilespmem:s25], [sflag:$0x4] =	stream.indirect.gather [hbm4b:s1+s24], $0x80, s10, s24, $0xb8;
	[tilespmem:$0x1F880] =	vst v63  }
0x54: {  	_ =	swait.ge [sflag:s30], $0x2800  }
0x55: {  	[sflag:s30] =	ssyncset.done $0x0  }
0x56: {  	[sflag:s30] =	ssyncadd.s32 $0xFFFFD800  }
0x57: {  	_ =	swait.ge [sflag:s31], $0x50  }
0x58: {  	[sflag:s31] =	ssyncset.done $0x0  }
0x59: {  	[sflag:s31] =	ssyncadd.s32 $0xFFFFFFB0  }
0x5a: {  	[spmem:s3] =	stream.indirect.scatter.add.f32 [tilespmem:s26], [sflag:$0x6], $0x80, s22, s24, $0xb8;
	[tilespmem:$0x1F880] =	vst v63  }
0x5b: {  	s9 =	sadd.s32 $0xA0, s18;
	_ =	swait.ge [sflag:s20], $0x2800  }
0x5c: {  	s11 =	sadd.s32 $0x0, s17;
	s7 =	simm.s32 $0x14;
	[sflag:s20] =	ssyncset.done $0x0  }
0x5d: {  	s8 =	simm.s32 $0x190;
	s2 =	simm.s32 $0xF0;
	[sflag:s20] =	ssyncadd.s32 $0xFFFFD800  }
0x5e: {  	[tilespmem:s22], [sflag:$0x3] =	stream.linear.gather [hbm4b:s11+s4], $0x50, $0x38;
	[tilespmem:$0x1F880] =	vst v63  }
.LBB2_4:
0x5f: {  	[tilespmem:s26], [sflag:$0x5] =	stream.indirect.gather [hbm4b:s1+s24], $0x80, s2, s24, $0xb8;
	[tilespmem:$0x1F880] =	vst v63  }
0x60: {  	s10 =	smov.u32 s7;
	s2 =	smov.u32 s8  }
0x61: {  	p0 =	sne.s32 s7, $0x4B0;
	s7 =	sadd.s32 $0x14, s7;
	_ =	swait.ge [sflag:s28], $0x2800  }
0x62: {  	[sflag:s28] =	ssyncset.done $0x0  }
0x63: {  	[sflag:s28] =	ssyncadd.s32 $0xFFFFD800  }
0x64: {  	_ =	swait.ge [sflag:s29], $0x50  }
0x65: {  	[sflag:s29] =	ssyncset.done $0x0  }
0x66: {  	[sflag:s29] =	ssyncadd.s32 $0xFFFFFFB0  }
0x67: {  	[spmem:s3] =	stream.indirect.scatter.add.f32 [tilespmem:s25], [sflag:$0x6], $0x80, s21, s24, $0xb8;
	[tilespmem:$0x1F880] =	vst v63  }
0x68: {  	_ =	swait.ge [sflag:s20], $0x2800  }
0x69: {  	s11 =	sshrl.u32 s9, $0x3;
	[sflag:s20] =	ssyncset.done $0x0  }
0x6a: {  	s11 =	sadd.s32 s5, s11;
	[sflag:s20] =	ssyncadd.s32 $0xFFFFD800  }
0x6b: {  	[tilespmem:s21], [sflag:$0x2] =	stream.linear.gather [hbm4b:s11+s4], $0x50, $0x38;
	[tilespmem:$0x1F880] =	vst v63  }
0x6c: {  	s11 =	sadd.s32 $0xFFFFFFB0, s8  }
0x6d: {  	[tilespmem:s25], [sflag:$0x4] =	stream.indirect.gather [hbm4b:s1+s24], $0x80, s11, s24, $0xb8;
	[tilespmem:$0x1F880] =	vst v63  }
0x6e: {  	_ =	swait.ge [sflag:s30], $0x2800  }
0x6f: {  	[sflag:s30] =	ssyncset.done $0x0  }
0x70: {  	[sflag:s30] =	ssyncadd.s32 $0xFFFFD800  }
0x71: {  	_ =	swait.ge [sflag:s31], $0x50  }
0x72: {  	[sflag:s31] =	ssyncset.done $0x0  }
0x73: {  	[sflag:s31] =	ssyncadd.s32 $0xFFFFFFB0  }
0x74: {  	[spmem:s3] =	stream.indirect.scatter.add.f32 [tilespmem:s26], [sflag:$0x6], $0x80, s22, s24, $0xb8;
	[tilespmem:$0x1F880] =	vst v63  }
.Ltmp1:
0x75: {  	_ =	swait.ge [sflag:s20], $0x2800;
	(pc) =	sbr.rel @p0 .LBB2_4-.Ltmp1, $4  }
0x76: {  	[sflag:s20] =	ssyncset.done $0x0  }
0x77: {  	s10 =	sadd.s32 s10, s17;
	[sflag:s20] =	ssyncadd.s32 $0xFFFFD800  }
0x78: {  	[tilespmem:s22], [sflag:$0x3] =	stream.linear.gather [hbm4b:s10+s4], $0x50, $0x38;
	[tilespmem:$0x1F880] =	vst v63  }
0x79: {  	s9 =	sadd.s32 $0xA0, s9;
	s8 =	sadd.s32 $0xA0, s8  }
0x7a: {  	[tilespmem:s26], [sflag:$0x5] =	stream.indirect.gather [hbm4b:s1+s24], $0x80, s2, s24, $0xb8;
	[tilespmem:$0x1F880] =	vst v63  }
0x7b: {  	_ =	swait.ge [sflag:s28], $0x2800  }
0x7c: {  	[sflag:s28] =	ssyncset.done $0x0  }
0x7d: {  	[sflag:s28] =	ssyncadd.s32 $0xFFFFD800  }
0x7e: {  	_ =	swait.ge [sflag:s29], $0x50  }
0x7f: {  	[sflag:s29] =	ssyncset.done $0x0  }
0x80: {  	[sflag:s29] =	ssyncadd.s32 $0xFFFFFFB0  }
0x81: {  	[spmem:s3] =	stream.indirect.scatter.add.f32 [tilespmem:s25], [sflag:$0x6], $0x80, s21, s24, $0xb8;
	[tilespmem:$0x1F880] =	vst v63  }
0x82: {  	_ =	swait.ge [sflag:s20], $0x2800  }
0x83: {  	[sflag:s20] =	ssyncset.done $0x0  }
0x84: {  	[sflag:s20] =	ssyncadd.s32 $0xFFFFD800  }
0x85: {  	[tilespmem:s21], [sflag:$0x2] =	stream.linear.gather [hbm4b:s16+s4], $0x50, $0x38;
	[tilespmem:$0x1F880] =	vst v63  }
0x86: {  	s10 =	simm.s32 $0x26C0  }
0x87: {  	[tilespmem:s25], [sflag:$0x4] =	stream.indirect.gather [hbm4b:s1+s24], $0x80, s10, s24, $0xb8;
	[tilespmem:$0x1F880] =	vst v63  }
0x88: {  	_ =	swait.ge [sflag:s30], $0x2800  }
0x89: {  	[sflag:s30] =	ssyncset.done $0x0  }
0x8a: {  	[sflag:s30] =	ssyncadd.s32 $0xFFFFD800  }
0x8b: {  	_ =	swait.ge [sflag:s31], $0x50  }
0x8c: {  	[sflag:s31] =	ssyncset.done $0x0  }
0x8d: {  	[sflag:s31] =	ssyncadd.s32 $0xFFFFFFB0  }
0x8e: {  	[spmem:s3] =	stream.indirect.scatter.add.f32 [tilespmem:s26], [sflag:$0x6], $0x80, s22, s24, $0xb8;
	[tilespmem:$0x1F880] =	vst v63  }
0x8f: {  	_ =	swait.ge [sflag:s20], $0x2800  }
0x90: {  	[sflag:s20] =	ssyncset.done $0x0  }
0x91: {  	[sflag:s20] =	ssyncadd.s32 $0xFFFFD800  }
0x92: {  	_ =	swait.ge [sflag:s28], $0x2800  }
0x93: {  	[sflag:s28] =	ssyncset.done $0x0  }
0x94: {  	[sflag:s28] =	ssyncadd.s32 $0xFFFFD800  }
0x95: {  	_ =	swait.ge [sflag:s29], $0x50  }
0x96: {  	[sflag:s29] =	ssyncset.done $0x0  }
0x97: {  	[sflag:s29] =	ssyncadd.s32 $0xFFFFFFB0  }
0x98: {  	[spmem:s3] =	stream.indirect.scatter.add.f32 [tilespmem:s25], [sflag:$0x6], $0x80, s21, s24, $0xb8;
	[tilespmem:$0x1F880] =	vst v63  }
0x99: {  	s11 =	stileid.u32;
	_ =	swait.ge [sflag:s20], $0x2800  }
0x9a: {  	s7 =	sshrl.u32 s6, $0x3;
	s0 =	sadd.s32 $0x1, s0;
	[sflag:s20] =	ssyncset.done $0x0  }
0x9b: {  	s2 =	sshll.u32 s11, $0x6;
	p0 =	sne.s32 s0, s15;
	[sflag:s20] =	ssyncadd.s32 $0xFFFFD800  }
.Ltmp2:
0x9c: {  	s2 =	sor.u32 $0x1C06, s2;
	[bflag:$0x0] =	sbarrier.arrive $0xFFFF;
	(pc) =	sbr.rel @p0 .LBB2_1-.Ltmp2, $4  }
0x9d: {  	[hbm:s14], [sflag:s2] =	dma.local [spmem:s7], $0x2800  }
0x9e: {  	_ =	swait.ge [sflag:s20], $0x2800  }
0x9f: {  	[sflag:s20] =	ssyncset.done $0x0  }
0xa0: {  	[sflag:s20] =	ssyncadd.s32 $0xFFFFD800  }
0xa1: {  	_ =	sfence.sel $0x180000  }
0xa2: {  	[bflag:$0x0] =	sbarrier.arrive $0xFFFF  }
0xa3: {  	_ =	strace $0x9000004A  }
0xa4: {  	s0 =	stileid.u32;
	[bflag:$0x2] =	sbarrier.arrive $0xFFFF  }
0xa5: {  	p0 =	sne.s32 s0, $0x0;
	s0 =	rddreg [dreg:$0x3]  }
0xa6: {  	s0 =	sadd.s32 @!p0 $0x100000, s0  }
0xa7: {  	[sflag:s0] =	ssyncadd.tile.s32 @!p0 $0x1;
	_ =	shalt  }
.Lfunc_end2:
_tile_overlayer_lowered:
.L_overlay_start_2:
0xa8: {  	(tag) =	ssettag $0x2  }
0xa9: {  	s0 =	rddreg [dreg:$0x0];
	s2 =	stileid.u32  }
0xaa: {  	s1 =	rddreg [dreg:$0x1];
	p0 =	sne.s32 s2, $0x0  }
0xab: {  	s3 =	rddreg [dreg:$0x2];
	[bflag:$0x3] =	sbarrier.arrive $0xFFFF;
	s2 =	simm.s32 @!p0 $0x1C06  }
0xac: {  	[timem:s3], [sflag:s2] =	dma.local @!p0 [hbm:s0], s1  }
0xad: {  	s0 =	simm.s32 @!p0 $0x6  }
0xae: {  	_ =	swait.ge @!p0 [sflag:s0], s1  }
0xaf: {  	s1 =	ssub.s32 @!p0 $0x0, s1;
	[sflag:s0] =	ssyncset.done @!p0 $0x0  }
0xb0: {  	[sflag:s0] =	ssyncadd.s32 @!p0 s1  }
0xb1: {  	[bflag:$0x3] =	sbarrier.arrive $0xFFFF  }
0xb2: {  	_ =	shalt  }

// kernel: kernel.14.cloned.1.call-start
scs
__scs_entry_jumppad:
0x0: {  	(pc) =	sbr.rel $0x88, $3  }
0x1: {  	(tag) =	ssettag $0x0;
	lr =	simm.s32 $0x1  }
0x2: {  	[smem:$0x3F9B] =	sst lr;
	_ =	strace $0xD0000000  }
0x3: {  	_ = 	snop  }
0x4: {  	_ = 	snop  }
0x5: {  	_ = 	snop  }
0x6: {  	_ = 	snop  }
0x7: {  	_ = 	snop  }
__scs_overlays_trampoline_lowered:
0x8: {  	[smem:$0x3FAA] =	sst s0  }
0x9: {  	[smem:$0x3FAB] =	sst s1  }
0xa: {  	[smem:$0x3FAC] =	sst s2  }
0xb: {  	[smem:$0x3FAD] =	sst s3  }
0xc: {  	[smem:$0x3FAE] =	sst s4  }
0xd: {  	[smem:$0x3FAF] =	sst s5  }
0xe: {  	[smem:$0x3FB0] =	sst s6  }
0xf: {  	[smem:$0x3FB1] =	sst s7  }
0x10: {  	[smem:$0x3FB2] =	sst s8  }
0x11: {  	[smem:$0x3FB3] =	sst s9;
	s0 =	simm.s32 @!p0 $0x0  }
0x12: {  	s1 =	sld [smem:$0x3F99];
	s0 =	simm.s32 @p0 $0x1  }
0x13: {  	[smem:$0x3FB4] =	sst s0;
	s0 =	simm.s32 @!p1 $0x0  }
0x14: {  	s2 =	sld [smem:$0x3F98];
	s0 =	simm.s32 @p1 $0x1  }
0x15: {  	[smem:$0x3FB5] =	sst s0;
	s0 =	simm.s32 @!p2 $0x0  }
0x16: {  	s3 =	sld [smem:$0x3FDB];
	s0 =	simm.s32 @p2 $0x1  }
0x17: {  	s4 =	simm.s32 $0x1BF5;
	[smem:$0x3FB7] =	sst s0  }
0x18: {  	s0 =	sld [smem:$0x3F9A];
	_ =	swait.ge [sflag:s4], $0x0  }
0x19: {  	s7 =	sld [smem:$0x3F9B]  }
0x1a: {  	s8 =	sadd.s32 $0xFFFFE003, lr  }
0x1b: {  	s9 =	sadd.s32 $0xFFFFFEF7, lr;
	s5 =	simm.s32 $0xFFFFFFFF;
	p2 =	slt.u32 s8, $0xFFFFF086  }
0x1c: {  	p1 =	slt.u32 s9, $0xF7A;
	s5 =	simm.s32 @!p2 $0x0  }
0x1d: {  	s5 =	simm.s32 @p1 $0x1;
	p0 =	seq.s32 s7, s2  }
0x1e: {  	s7 =	smul.u32 @!p0 $0xF7A, s2;
	p2 =	seq.s32 @!p0 s5, $0x0  }
0x1f: {  	s9 =	smul.u32 $0xF7A, s1;
	s8 =	simm.s32 @!p0 $0x1BF5;
	p2 =	por !p2, p0  }
0x20: {  	[sflag:s8] =	ssyncset.s32 @!p0 $0xFFFFF086;
	s6 =	sadd.s32 @!p0 s3, s7;
	s7 =	simm.s32 @!p0 $0x108  }
0x21: {  	s3 =	sadd.s32 s3, s9;
	s6 =	sadd.s32 @!p0 $0x88, s6;
	s7 =	simm.s32 @p2 $0x1082  }
0x22: {  	[simem:s7], [sflag:s8] =	dma.local @!p0 [hbm:s6], $0xF7A  }
0x23: {  	s9 =	sor.u32 $0xD0000000, s2;
	s6 =	simm.s32 $0x108;
	_ =	swait.ge @!p0 [sflag:s8], $0x0  }
0x24: {  	s3 =	sadd.s32 $0x88, s3;
	s6 =	simm.s32 @!p1 $0x1082;
	[sflag:s4] =	ssyncset.s32 $0xFFFFF086  }
0x25: {  	[simem:s6], [sflag:s4] =	dma.local [hbm:s3], $0xF7A  }
0x26: {  	[smem:$0x3F9B] =	sst s1;
	(tag) =	ssettag s2;
	_ =	strace s9  }
0x27: {  	s1 =	sld [smem:$0x3FAB]  }
0x28: {  	s2 =	sld [smem:$0x3FAC]  }
0x29: {  	s4 =	sld [smem:$0x3FAE]  }
0x2a: {  	p0 =	seq.s32 s5, $0x0;
	s5 =	sld [smem:$0x3FAF]  }
0x2b: {  	s6 =	sld [smem:$0x3FB0]  }
0x2c: {  	s7 =	sld [smem:$0x3FB1]  }
0x2d: {  	s3 =	simm.s32 $0x108;
	s8 =	sld [smem:$0x3FB2]  }
0x2e: {  	s3 =	simm.s32 @!p0 $0x1082;
	s9 =	sld [smem:$0x3FB3]  }
0x2f: {  	lr =	sadd.s32 s0, s3;
	s0 =	sld [smem:$0x3FAA]  }
0x30: {  	s3 =	sld [smem:$0x3FAD]  }
0x31: {  	[smem:$0x3FB6] =	sst s10  }
0x32: {  	s10 =	sld [smem:$0x3FB4];
	_ =	sdelay $0x3  }
0x33: {  	p0 =	seq.s32 s10, $0x1;
	s10 =	sld [smem:$0x3FB6];
	_ =	sdelay $0x3  }
0x34: {  	[smem:$0x3FB6] =	sst s10  }
0x35: {  	s10 =	sld [smem:$0x3FB5];
	_ =	sdelay $0x3  }
0x36: {  	p1 =	seq.s32 s10, $0x1;
	s10 =	sld [smem:$0x3FB6];
	_ =	sdelay $0x3  }
0x37: {  	[smem:$0x3FB6] =	sst s10  }
0x38: {  	s10 =	sld [smem:$0x3FB7]  }
0x39: {  	_ = 	snop;
	(pc) =	sbr.ind lr, $3  }
0x3a: {  	_ = 	snop  }
0x3b: {  	_ = 	snop  }
0x3c: {  	p2 =	seq.s32 s10, $0x1;
	s10 =	sld [smem:$0x3FB6]  }
0x3d: {  	_ =	shalt  }
0x3e: {  	_ =	shalt  }
0x3f: {  	_ =	shalt  }
0x40: {  	_ =	shalt  }
0x41: {  	_ =	shalt  }
0x42: {  	_ =	shalt  }
0x43: {  	_ =	shalt  }
0x44: {  	_ =	shalt  }
0x45: {  	_ =	shalt  }
0x46: {  	_ =	shalt  }
0x47: {  	_ =	shalt  }
0x48: {  	_ =	shalt  }
0x49: {  	_ =	shalt  }
0x4a: {  	_ =	shalt  }
0x4b: {  	_ =	shalt  }
0x4c: {  	_ =	shalt  }
0x4d: {  	_ =	shalt  }
0x4e: {  	_ =	shalt  }
0x4f: {  	_ =	shalt  }
0x50: {  	_ =	shalt  }
0x51: {  	_ =	shalt  }
0x52: {  	_ =	shalt  }
0x53: {  	_ =	shalt  }
0x54: {  	_ =	shalt  }
0x55: {  	_ =	shalt  }
0x56: {  	_ =	shalt  }
0x57: {  	_ =	shalt  }
0x58: {  	_ =	shalt  }
0x59: {  	_ =	shalt  }
0x5a: {  	_ =	shalt  }
0x5b: {  	_ =	shalt  }
0x5c: {  	_ =	shalt  }
0x5d: {  	_ =	shalt  }
0x5e: {  	_ =	shalt  }
0x5f: {  	_ =	shalt  }
0x60: {  	_ =	shalt  }
0x61: {  	_ =	shalt  }
0x62: {  	_ =	shalt  }
0x63: {  	_ =	shalt  }
0x64: {  	_ =	shalt  }
0x65: {  	_ =	shalt  }
0x66: {  	_ =	shalt  }
0x67: {  	_ =	shalt  }
0x68: {  	_ =	shalt  }
0x69: {  	_ =	shalt  }
0x6a: {  	_ =	shalt  }
0x6b: {  	_ =	shalt  }
0x6c: {  	_ =	shalt  }
0x6d: {  	_ =	shalt  }
0x6e: {  	_ =	shalt  }
0x6f: {  	_ =	shalt  }
0x70: {  	_ =	shalt  }
0x71: {  	_ =	shalt  }
0x72: {  	_ =	shalt  }
0x73: {  	_ =	shalt  }
0x74: {  	_ =	shalt  }
0x75: {  	_ =	shalt  }
0x76: {  	_ =	shalt  }
0x77: {  	_ =	shalt  }
0x78: {  	_ =	shalt  }
0x79: {  	_ =	shalt  }
0x7a: {  	_ =	shalt  }
0x7b: {  	_ =	shalt  }
0x7c: {  	_ =	shalt  }
0x7d: {  	_ =	shalt  }
0x7e: {  	_ =	shalt  }
0x7f: {  	_ =	shalt  }
0x80: {  	_ =	shalt  }
0x81: {  	_ =	shalt  }
0x82: {  	_ =	shalt  }
0x83: {  	_ =	shalt  }
0x84: {  	_ =	shalt  }
0x85: {  	_ =	shalt  }
0x86: {  	_ =	shalt  }
0x87: {  	_ =	shalt  }
.Lfunc_end0:
.L_simem_size_0:
called_computation.2_lowered:
.L_overlay_start_0:
0x88: {  	s2 =	sld [smem:$0x3FD9]  }
0x89: {  	s3 =	sld [smem:$0x3FFE];
	_ =	sdelay $0x1  }
0x8a: {  	s1 =	srdreg.scid  }
0x8b: {  	s0 =	sand.u32 $0x1, s1  }
0x8c: {  	s17 =	sshll.u32 s0, $0xA;
	s2 =	sadd.s32 s3, s2  }
0x8d: {  	s2 =	sadd.s32 s2, s17  }
0x8e: {  	[smem:$0x3FC2] =	sst s2  }
0x8f: {  	_ = 	snop  }
0x90: {  	s2 =	sld [smem:$0x3FD0];
	(tm) =	ssettm $0x1  }
0x91: {  	s18 =	sld [smem:$0x3FFB];
	_ =	sdelay $0x3  }
0x92: {  	_ =	strace s18  }
0x93: {  	s3 =	sld [smem:$0x3FFC];
	_ =	sdelay $0x3  }
0x94: {  	_ =	strace s3  }
0x95: {  	s3 =	sld [smem:$0x3FFD];
	_ =	sdelay $0x3  }
0x96: {  	_ =	strace s3  }
0x97: {  	_ =	strace $0x8FFFFFFF  }
0x98: {  	s19 =	sld [smem:$0x3FDB];
	_ =	sdelay $0x1  }
0x99: {  	s4 =	simm.s32 $_scs_section_size  }
0x9a: {  	s5 =	simm.s32 $_size__tile_overlayer_lowered;
	s6 =	simm.s32 $_tile_overlayer_lowered  }
0x9b: {  	s22 =	simm.s32 $0x1BFF;
	s21 =	sshll.u32 s6, $0x1;
	s3 =	sadd.s32 s4, s19  }
0x9c: {  	s7 =	simm.s32 $0x0;
	s20 =	sshll.u32 s5, $0x1;
	s5 =	sadd.s32 s21, s3  }
0x9d: {  	[timem:s7], [sflag:s22] =	dma.local [hbm:s5], s20  }
0x9e: {  	_ =	swait.ge [sflag:s22], s20  }
0x9f: {  	s4 =	ssub.s32 $0x0, s20;
	[sflag:s22] =	ssyncset.done $0x0  }
0xa0: {  	[sflag:s22] =	ssyncadd.s32 s4;
	_ =	sdelay $0x1  }
0xa1: {  	s23 =	simm.s32 $0x1B8B  }
0xa2: {  	_ =	swait.ge [sflag:s23], $0x1  }
0xa3: {  	[sflag:s23] =	ssyncset.done $0x0  }
0xa4: {  	s25 =	simm.s32 $0x1B8E;
	s24 =	sld [smem:$0x3FFE];
	[sflag:s23] =	ssyncadd.s32 $0xFFFFFFFF  }
0xa5: {  	s26 =	simm.s32 $execute0_lowered;
	[smem:$0x3FD2] =	sst s25  }
0xa6: {  	s5 =	sshll.u32 s26, $0x1;
	_ =	strace $0x8000004C;
	[dreg:$0x1] =	wrdreg $0xFFFFFFFF  }
0xa7: {  	s28 =	simm.s32 $_size_execute0_lowered;
	s3 =	sadd.s32 s3, s5;
	[dreg:$0x0] =	wrdreg $0x0  }
0xa8: {  	s5 =	sshll.u32 s28, $0x1;
	[dreg:$0x2] =	wrdreg s3  }
0xa9: {  	[dreg:$0x3] =	wrdreg s5  }
0xaa: {  	[dreg:$0x4] =	wrdreg $0xC0  }
0xab: {  	_ =	task [dreg:s7], $0x5FFFF  }
0xac: {  	[dreg:$0x1] =	wrdreg $0xFFFFFFFF  }
0xad: {  	[dreg:$0x0] =	wrdreg $0x60  }
0xae: {  	[dreg:$0x2] =	wrdreg s2  }
0xaf: {  	[dreg:$0x3] =	wrdreg s24  }
0xb0: {  	[dreg:$0x4] =	wrdreg $0xB8800  }
0xb1: {  	[dreg:$0x5] =	wrdreg $0x9  }
0xb2: {  	_ =	task.clear_ibuf [dreg:s7], $0x6FFFF;
	_ =	strace $0x9000004C  }
0xb3: {  	s29 =	simm.s32 $0x9;
	_ =	strace $0x8000004E  }
0xb4: {  	_ =	swait.ge [sflag:s29], $0x1  }
0xb5: {  	[sflag:s29] =	ssyncadd.s32 $0xFFFFFFFF  }
0xb6: {  	_ =	strace $0x9000004E  }
0xb7: {  	_ =	sfence  }
0xb8: {  	s30 =	sld [smem:$0x0];
	_ =	sdelay $0x2  }
0xb9: {  	s31 =	sshll.u32 s1, $0xD;
	s1 =	sshrl.u32 s1, $0x2  }
0xba: {  	s3 =	sand.u32 $0x4000, s31;
	s1 =	sadd.s32 s1, s30  }
0xbb: {  	s0 =	sor.u32 s3, s0;
	s1 =	sshll.u32 s1, $0x11  }
0xbc: {  	s0 =	sor.u32 s1, s0  }
0xbd: {  	s0 =	sadd.s32 $0x8F2B, s0  }
0xbe: {  	[sflag:s0] =	ssyncadd.remote.s32 $0x1  }
0xbf: {  	_ =	sfence.sel $0xFFFF  }
0xc0: {  	[dreg:$0x0] =	wrdreg $0xFFFFFFFF;
	(pc) =	sbr.abs _section_cstart, $3  }
0xc1: {  	[dreg:$0x1] =	wrdreg $0xFFFFFFFF  }
0xc2: {  	_ =	task.clear_ibuf [dreg:s7], $0x2FFFF;
	_ =	strace $0x9FFFFFFF  }
0xc3: {  	(tm) =	ssettm $0x7FFFFFFF  }
tec
execute0_lowered:
.L_overlay_start_1:
0x0: {  	(tag) =	ssettag $0x1  }
0x1: {  	s1 =	rddreg [dreg:$0x0]  }
0x2: {  	s0 =	srdreg.scid;
	s6 =	rddreg [dreg:$0x1]  }
0x3: {  	s11 =	stileid.u32;
	s3 =	rddreg [dreg:$0x2];
	s4 =	simm.s32 $0x0  }
0x4: {  	s19 =	simm.s32 $0x7880;
	s28 =	simm.s32 $0x4;
	s29 =	simm.s32 $0x2  }
0x5: {  	s30 =	simm.s32 $0x5;
	s31 =	simm.s32 $0x3;
	s5 =	smul.u32 $0x2800, s11  }
0x6: {  	s0 =	sand.u32 $0x1, s0;
	[smem:$0x7FF] =	sst s4;
	s8 =	smul.u32 $0x50000, s11  }
0x7: {  	s2 =	sshll.u32 s0, $0x4;
	s7 =	smul.u32 $0x28000, s0;
	_ =	strace $0x8000004D  }
0x8: {  	s10 =	ssub.s32 $0x2, s0;
	s0 =	smul.u32 $0x27100, s0;
	s2 =	sor.u32 s11, s2  }
0x9: {  	s20 =	sshrl.u32 s8, $0x2;
	s21 =	sshrl.u32 s10, $0x1;
	s11 =	smul.u32 $0x2710, s11  }
0xa: {  	s2 =	smul.u32 $0x2710, s2;
	s7 =	sadd.s32 s5, s7;
	s5 =	sadd.s32 $0xBA00, s6  }
0xb: {  	s8 =	ssub.s32 s10, s21;
	s21 =	simm.s32 $0x2780;
	s7 =	sadd.s32 s7, s6  }
0xc: {  	s0 =	sadd.s32 s11, s0;
	s15 =	smax.u32 s8, $0x1;
	s2 =	sshrl.u32 s2, $0x3  }
0xd: {  	s26 =	sadd.s32 $0xF0, s0;
	s14 =	sadd.s32 $0x15800, s7;
	s18 =	sadd.s32 $0xA0, s0  }
0xe: {  	s0 =	simm.s32 $0x0;
	s9 =	sadd.s32 s2, s6;
	s6 =	sadd.s32 s20, s3  }
0xf: {  	s12 =	sadd.s32 s5, s2;
	s2 =	sshrl.u32 s26, $0x3;
	s9 =	sadd.s32 $0x1C00, s9  }
0x10: {  	s20 =	simm.s32 $0x6;
	s22 =	sadd.s32 $0x4000, s6;
	[dreg:$0x4] =	wrdreg s9  }
0x11: {  	s26 =	simm.s32 $0x5080;
	s23 =	sadd.s32 $0x8000, s6;
	[dreg:$0x5] =	wrdreg s22  }
0x12: {  	s24 =	sadd.s32 $0xC000, s6;
	s25 =	sadd.s32 $0x10000, s6;
	[dreg:$0x6] =	wrdreg s23  }
0x13: {  	s13 =	sadd.s32 $0xA, s12;
	s16 =	sadd.s32 $0x4D8, s12;
	[dreg:$0x7] =	wrdreg s24  }
0x14: {  	s17 =	sadd.s32 s2, s5;
	[dreg:$0x8] =	wrdreg s25;
	s22 =	simm.s32 $0x2800  }
0x15: {  	v0 =	vimm.f32 $0.0e+00;
	s23 =	simm.s32 $0x1;
	s24 =	simm.s32 $0x50;
	s25 =	simm.s32 $0x2880  }
.LBB2_1:
0x16: {  	s2 =	rddreg [dreg:$0x4]  }
0x17: {  	[tilespmem:s4], [sflag:$0x1] =	stream.linear.gather [hbm4b:s2+s4], $0x2710, $0x38;
	[tilespmem:$0x1F880] =	vst v63  }
0x18: {  	s7 =	simm.s32 $0x200;
	s2 =	simm.s32 $0x0  }
.LBB2_2:
0x19: {  	p0 =	sne.s32 s7, $0xFE00;
	[tilespmem:s2+$0x78F0] =	vst v0  }
0x1a: {  	[tilespmem:s2+$0x7880] =	vst v0  }
0x1b: {  	[tilespmem:s2+$0x7890] =	vst v0  }
.Ltmp0:
0x1c: {  	[tilespmem:s2+$0x78A0] =	vst v0;
	(pc) =	sbr.rel @p0 .LBB2_2-.Ltmp0, $4  }
0x1d: {  	[tilespmem:s2+$0x78B0] =	vst v0  }
0x1e: {  	[tilespmem:s2+$0x78C0] =	vst v0  }
0x1f: {  	[tilespmem:s2+$0x78D0] =	vst v0  }
0x20: {  	[tilespmem:s2+$0x78E0] =	vst v0;
	s2 =	sshra.s32 s7, $0x2;
	s7 =	sadd.s32 $0x200, s7  }
0x21: {  	[tilespmem:s2+$0x78F0] =	vst v0  }
0x22: {  	[tilespmem:s2+$0x7880] =	vst v0  }
0x23: {  	[tilespmem:s2+$0x7890] =	vst v0  }
0x24: {  	[tilespmem:s2+$0x78A0] =	vst v0  }
0x25: {  	[tilespmem:s2+$0x78B0] =	vst v0  }
0x26: {  	[tilespmem:s2+$0x78C0] =	vst v0  }
0x27: {  	[tilespmem:s2+$0x78D0] =	vst v0  }
0x28: {  	[tilespmem:s2+$0x78E0] =	vst v0  }
0x29: {  	[spmem:s6] =	stream.linear.scatter [tilespmem:s19], [sflag:$0x6], $0x4000, $0x38;
	[tilespmem:$0x1F880] =	vst v63  }
0x2a: {  	_ =	swait.ge [sflag:s20], $0x4000  }
0x2b: {  	[sflag:s20] =	ssyncset.done $0x0  }
0x2c: {  	s9 =	rddreg [dreg:$0x5];
	[sflag:s20] =	ssyncadd.s32 $0xFFFFC000  }
0x2d: {  	[spmem:s9] =	stream.linear.scatter [tilespmem:s19], [sflag:$0x6], $0x4000, $0x38;
	[tilespmem:$0x1F880] =	vst v63  }
0x2e: {  	_ =	swait.ge [sflag:s20], $0x4000  }
0x2f: {  	[sflag:s20] =	ssyncset.done $0x0  }
0x30: {  	s10 =	rddreg [dreg:$0x6];
	[sflag:s20] =	ssyncadd.s32 $0xFFFFC000  }
0x31: {  	[spmem:s10] =	stream.linear.scatter [tilespmem:s19], [sflag:$0x6], $0x4000, $0x38;
	[tilespmem:$0x1F880] =	vst v63  }
0x32: {  	_ =	swait.ge [sflag:s20], $0x4000  }
0x33: {  	[sflag:s20] =	ssyncset.done $0x0  }
0x34: {  	s11 =	rddreg [dreg:$0x7];
	[sflag:s20] =	ssyncadd.s32 $0xFFFFC000  }
0x35: {  	[spmem:s11] =	stream.linear.scatter [tilespmem:s19], [sflag:$0x6], $0x4000, $0x38;
	[tilespmem:$0x1F880] =	vst v63  }
0x36: {  	_ =	swait.ge [sflag:s20], $0x4000  }
0x37: {  	[sflag:s20] =	ssyncset.done $0x0  }
0x38: {  	s7 =	rddreg [dreg:$0x8];
	[sflag:s20] =	ssyncadd.s32 $0xFFFFC000  }
0x39: {  	[spmem:s7] =	stream.linear.scatter [tilespmem:s19], [sflag:$0x6], $0x4000, $0x38;
	[tilespmem:$0x1F880] =	vst v63  }
0x3a: {  	_ =	swait.ge [sflag:s20], $0x4000  }
0x3b: {  	[sflag:s20] =	ssyncset.done $0x0  }
0x3c: {  	s8 =	simm.s32 $0x0;
	[sflag:s20] =	ssyncadd.s32 $0xFFFFC000  }
0x3d: {  	[tilespmem:s21], [sflag:$0x2] =	stream.linear.gather [hbm4b:s12+s8], $0x50, $0x38;
	[tilespmem:$0x1F880] =	vst v63  }
0x3e: {  	_ = 	snop  }
0x3f: {  	[tilespmem:s22], [sflag:$0x3] =	stream.linear.gather [hbm4b:s13+s8], $0x50, $0x38;
	[tilespmem:$0x1F880] =	vst v63  }
0x40: {  	_ =	swait.ge [sflag:s23], $0x2710  }
0x41: {  	[sflag:s23] =	ssyncset.done $0x0  }
0x42: {  	[sflag:s23] =	ssyncadd.s32 $0xFFFFD8F0  }
0x43: {  	[tilespmem:s25], [sflag:$0x4] =	stream.indirect.gather [hbm4b:s1+s24], $0x80, s8, s24, $0xb8;
	[tilespmem:$0x1F880] =	vst v63  }
0x44: {  	_ = 	snop  }
0x45: {  	[tilespmem:s26], [sflag:$0x5] =	stream.indirect.gather [hbm4b:s1+s24], $0x80, s24, s24, $0xb8;
	[tilespmem:$0x1F880] =	vst v63  }
0x46: {  	[bflag:$0x0] =	sbarrier.arrive $0xFFFF  }
0x47: {  	_ =	swait.ge [sflag:s28], $0x2800  }
0x48: {  	[sflag:s28] =	ssyncset.done $0x0  }
0x49: {  	[sflag:s28] =	ssyncadd.s32 $0xFFFFD800  }
0x4a: {  	_ =	swait.ge [sflag:s29], $0x50  }
0x4b: {  	[sflag:s29] =	ssyncset.done $0x0  }
0x4c: {  	[sflag:s29] =	ssyncadd.s32 $0xFFFFFFB0  }
0x4d: {  	[spmem:s3] =	stream.indirect.scatter.add.f32 [tilespmem:s25], [sflag:$0x6], $0x80, s21, s24, $0xb8;
	[tilespmem:$0x1F880] =	vst v63  }
0x4e: {  	_ =	swait.ge [sflag:s20], $0x2800  }
0x4f: {  	s9 =	sshrl.u32 s18, $0x3;
	[sflag:s20] =	ssyncset.done $0x0  }
0x50: {  	s2 =	sadd.s32 s5, s9;
	[sflag:s20] =	ssyncadd.s32 $0xFFFFD800  }
0x51: {  	[tilespmem:s21], [sflag:$0x2] =	stream.linear.gather [hbm4b:s2+s4], $0x50, $0x38;
	[tilespmem:$0x1F880] =	vst v63  }
0x52: {  	s10 =	simm.s32 $0xA0  }
0x53: {  	[tilespmem:s25], [sflag:$0x4] =	stream.indirect.gather [hbm4b:s1+s24], $0x80, s10, s24, $0xb8;
	[tilespmem:$0x1F880] =	vst v63  }
0x54: {  	_ =	swait.ge [sflag:s30], $0x2800  }
0x55: {  	[sflag:s30] =	ssyncset.done $0x0  }
0x56: {  	[sflag:s30] =	ssyncadd.s32 $0xFFFFD800  }
0x57: {  	_ =	swait.ge [sflag:s31], $0x50  }
0x58: {  	[sflag:s31] =	ssyncset.done $0x0  }
0x59: {  	[sflag:s31] =	ssyncadd.s32 $0xFFFFFFB0  }
0x5a: {  	[spmem:s3] =	stream.indirect.scatter.add.f32 [tilespmem:s26], [sflag:$0x6], $0x80, s22, s24, $0xb8;
	[tilespmem:$0x1F880] =	vst v63  }
0x5b: {  	s9 =	sadd.s32 $0xA0, s18;
	_ =	swait.ge [sflag:s20], $0x2800  }
0x5c: {  	s11 =	sadd.s32 $0x0, s17;
	s7 =	simm.s32 $0x14;
	[sflag:s20] =	ssyncset.done $0x0  }
0x5d: {  	s8 =	simm.s32 $0x190;
	s2 =	simm.s32 $0xF0;
	[sflag:s20] =	ssyncadd.s32 $0xFFFFD800  }
0x5e: {  	[tilespmem:s22], [sflag:$0x3] =	stream.linear.gather [hbm4b:s11+s4], $0x50, $0x38;
	[tilespmem:$0x1F880] =	vst v63  }
.LBB2_4:
0x5f: {  	[tilespmem:s26], [sflag:$0x5] =	stream.indirect.gather [hbm4b:s1+s24], $0x80, s2, s24, $0xb8;
	[tilespmem:$0x1F880] =	vst v63  }
0x60: {  	s10 =	smov.u32 s7;
	s2 =	smov.u32 s8  }
0x61: {  	p0 =	sne.s32 s7, $0x4B0;
	s7 =	sadd.s32 $0x14, s7;
	_ =	swait.ge [sflag:s28], $0x2800  }
0x62: {  	[sflag:s28] =	ssyncset.done $0x0  }
0x63: {  	[sflag:s28] =	ssyncadd.s32 $0xFFFFD800  }
0x64: {  	_ =	swait.ge [sflag:s29], $0x50  }
0x65: {  	[sflag:s29] =	ssyncset.done $0x0  }
0x66: {  	[sflag:s29] =	ssyncadd.s32 $0xFFFFFFB0  }
0x67: {  	[spmem:s3] =	stream.indirect.scatter.add.f32 [tilespmem:s25], [sflag:$0x6], $0x80, s21, s24, $0xb8;
	[tilespmem:$0x1F880] =	vst v63  }
0x68: {  	_ =	swait.ge [sflag:s20], $0x2800  }
0x69: {  	s11 =	sshrl.u32 s9, $0x3;
	[sflag:s20] =	ssyncset.done $0x0  }
0x6a: {  	s11 =	sadd.s32 s5, s11;
	[sflag:s20] =	ssyncadd.s32 $0xFFFFD800  }
0x6b: {  	[tilespmem:s21], [sflag:$0x2] =	stream.linear.gather [hbm4b:s11+s4], $0x50, $0x38;
	[tilespmem:$0x1F880] =	vst v63  }
0x6c: {  	s11 =	sadd.s32 $0xFFFFFFB0, s8  }
0x6d: {  	[tilespmem:s25], [sflag:$0x4] =	stream.indirect.gather [hbm4b:s1+s24], $0x80, s11, s24, $0xb8;
	[tilespmem:$0x1F880] =	vst v63  }
0x6e: {  	_ =	swait.ge [sflag:s30], $0x2800  }
0x6f: {  	[sflag:s30] =	ssyncset.done $0x0  }
0x70: {  	[sflag:s30] =	ssyncadd.s32 $0xFFFFD800  }
0x71: {  	_ =	swait.ge [sflag:s31], $0x50  }
0x72: {  	[sflag:s31] =	ssyncset.done $0x0  }
0x73: {  	[sflag:s31] =	ssyncadd.s32 $0xFFFFFFB0  }
0x74: {  	[spmem:s3] =	stream.indirect.scatter.add.f32 [tilespmem:s26], [sflag:$0x6], $0x80, s22, s24, $0xb8;
	[tilespmem:$0x1F880] =	vst v63  }
.Ltmp1:
0x75: {  	_ =	swait.ge [sflag:s20], $0x2800;
	(pc) =	sbr.rel @p0 .LBB2_4-.Ltmp1, $4  }
0x76: {  	[sflag:s20] =	ssyncset.done $0x0  }
0x77: {  	s10 =	sadd.s32 s10, s17;
	[sflag:s20] =	ssyncadd.s32 $0xFFFFD800  }
0x78: {  	[tilespmem:s22], [sflag:$0x3] =	stream.linear.gather [hbm4b:s10+s4], $0x50, $0x38;
	[tilespmem:$0x1F880] =	vst v63  }
0x79: {  	s9 =	sadd.s32 $0xA0, s9;
	s8 =	sadd.s32 $0xA0, s8  }
0x7a: {  	[tilespmem:s26], [sflag:$0x5] =	stream.indirect.gather [hbm4b:s1+s24], $0x80, s2, s24, $0xb8;
	[tilespmem:$0x1F880] =	vst v63  }
0x7b: {  	_ =	swait.ge [sflag:s28], $0x2800  }
0x7c: {  	[sflag:s28] =	ssyncset.done $0x0  }
0x7d: {  	[sflag:s28] =	ssyncadd.s32 $0xFFFFD800  }
0x7e: {  	_ =	swait.ge [sflag:s29], $0x50  }
0x7f: {  	[sflag:s29] =	ssyncset.done $0x0  }
0x80: {  	[sflag:s29] =	ssyncadd.s32 $0xFFFFFFB0  }
0x81: {  	[spmem:s3] =	stream.indirect.scatter.add.f32 [tilespmem:s25], [sflag:$0x6], $0x80, s21, s24, $0xb8;
	[tilespmem:$0x1F880] =	vst v63  }
0x82: {  	_ =	swait.ge [sflag:s20], $0x2800  }
0x83: {  	[sflag:s20] =	ssyncset.done $0x0  }
0x84: {  	[sflag:s20] =	ssyncadd.s32 $0xFFFFD800  }
0x85: {  	[tilespmem:s21], [sflag:$0x2] =	stream.linear.gather [hbm4b:s16+s4], $0x50, $0x38;
	[tilespmem:$0x1F880] =	vst v63  }
0x86: {  	s10 =	simm.s32 $0x26C0  }
0x87: {  	[tilespmem:s25], [sflag:$0x4] =	stream.indirect.gather [hbm4b:s1+s24], $0x80, s10, s24, $0xb8;
	[tilespmem:$0x1F880] =	vst v63  }
0x88: {  	_ =	swait.ge [sflag:s30], $0x2800  }
0x89: {  	[sflag:s30] =	ssyncset.done $0x0  }
0x8a: {  	[sflag:s30] =	ssyncadd.s32 $0xFFFFD800  }
0x8b: {  	_ =	swait.ge [sflag:s31], $0x50  }
0x8c: {  	[sflag:s31] =	ssyncset.done $0x0  }
0x8d: {  	[sflag:s31] =	ssyncadd.s32 $0xFFFFFFB0  }
0x8e: {  	[spmem:s3] =	stream.indirect.scatter.add.f32 [tilespmem:s26], [sflag:$0x6], $0x80, s22, s24, $0xb8;
	[tilespmem:$0x1F880] =	vst v63  }
0x8f: {  	_ =	swait.ge [sflag:s20], $0x2800  }
0x90: {  	[sflag:s20] =	ssyncset.done $0x0  }
0x91: {  	[sflag:s20] =	ssyncadd.s32 $0xFFFFD800  }
0x92: {  	_ =	swait.ge [sflag:s28], $0x2800  }
0x93: {  	[sflag:s28] =	ssyncset.done $0x0  }
0x94: {  	[sflag:s28] =	ssyncadd.s32 $0xFFFFD800  }
0x95: {  	_ =	swait.ge [sflag:s29], $0x50  }
0x96: {  	[sflag:s29] =	ssyncset.done $0x0  }
0x97: {  	[sflag:s29] =	ssyncadd.s32 $0xFFFFFFB0  }
0x98: {  	[spmem:s3] =	stream.indirect.scatter.add.f32 [tilespmem:s25], [sflag:$0x6], $0x80, s21, s24, $0xb8;
	[tilespmem:$0x1F880] =	vst v63  }
0x99: {  	s11 =	stileid.u32;
	_ =	swait.ge [sflag:s20], $0x2800  }
0x9a: {  	s7 =	sshrl.u32 s6, $0x3;
	s0 =	sadd.s32 $0x1, s0;
	[sflag:s20] =	ssyncset.done $0x0  }
0x9b: {  	s2 =	sshll.u32 s11, $0x6;
	p0 =	sne.s32 s0, s15;
	[sflag:s20] =	ssyncadd.s32 $0xFFFFD800  }
.Ltmp2:
0x9c: {  	s2 =	sor.u32 $0x1C06, s2;
	[bflag:$0x0] =	sbarrier.arrive $0xFFFF;
	(pc) =	sbr.rel @p0 .LBB2_1-.Ltmp2, $4  }
0x9d: {  	[hbm:s14], [sflag:s2] =	dma.local [spmem:s7], $0x2800  }
0x9e: {  	_ =	swait.ge [sflag:s20], $0x2800  }
0x9f: {  	[sflag:s20] =	ssyncset.done $0x0  }
0xa0: {  	[sflag:s20] =	ssyncadd.s32 $0xFFFFD800  }
0xa1: {  	_ =	sfence.sel $0x180000  }
0xa2: {  	[bflag:$0x0] =	sbarrier.arrive $0xFFFF  }
0xa3: {  	_ =	strace $0x9000004D  }
0xa4: {  	s0 =	stileid.u32;
	[bflag:$0x2] =	sbarrier.arrive $0xFFFF  }
0xa5: {  	p0 =	sne.s32 s0, $0x0;
	s0 =	rddreg [dreg:$0x3]  }
0xa6: {  	s0 =	sadd.s32 @!p0 $0x100000, s0  }
0xa7: {  	[sflag:s0] =	ssyncadd.tile.s32 @!p0 $0x1;
	_ =	shalt  }
.Lfunc_end2:
_tile_overlayer_lowered:
.L_overlay_start_2:
0xa8: {  	(tag) =	ssettag $0x2  }
0xa9: {  	s0 =	rddreg [dreg:$0x0];
	s2 =	stileid.u32  }
0xaa: {  	s1 =	rddreg [dreg:$0x1];
	p0 =	sne.s32 s2, $0x0  }
0xab: {  	s3 =	rddreg [dreg:$0x2];
	[bflag:$0x3] =	sbarrier.arrive $0xFFFF;
	s2 =	simm.s32 @!p0 $0x1C06  }
0xac: {  	[timem:s3], [sflag:s2] =	dma.local @!p0 [hbm:s0], s1  }
0xad: {  	s0 =	simm.s32 @!p0 $0x6  }
0xae: {  	_ =	swait.ge @!p0 [sflag:s0], s1  }
0xaf: {  	s1 =	ssub.s32 @!p0 $0x0, s1;
	[sflag:s0] =	ssyncset.done @!p0 $0x0  }
0xb0: {  	[sflag:s0] =	ssyncadd.s32 @!p0 s1  }
0xb1: {  	[bflag:$0x3] =	sbarrier.arrive $0xFFFF  }
0xb2: {  	_ =	shalt  }

// kernel: kernel.8.cloned.1.call-start
scs
__scs_entry_jumppad:
0x0: {  	(pc) =	sbr.rel $0x88, $3  }
0x1: {  	(tag) =	ssettag $0x0;
	lr =	simm.s32 $0x1  }
0x2: {  	[smem:$0x3F9B] =	sst lr;
	_ =	strace $0xD0000000  }
0x3: {  	_ = 	snop  }
0x4: {  	_ = 	snop  }
0x5: {  	_ = 	snop  }
0x6: {  	_ = 	snop  }
0x7: {  	_ = 	snop  }
__scs_overlays_trampoline_lowered:
0x8: {  	[smem:$0x3FAA] =	sst s0  }
0x9: {  	[smem:$0x3FAB] =	sst s1  }
0xa: {  	[smem:$0x3FAC] =	sst s2  }
0xb: {  	[smem:$0x3FAD] =	sst s3  }
0xc: {  	[smem:$0x3FAE] =	sst s4  }
0xd: {  	[smem:$0x3FAF] =	sst s5  }
0xe: {  	[smem:$0x3FB0] =	sst s6  }
0xf: {  	[smem:$0x3FB1] =	sst s7  }
0x10: {  	[smem:$0x3FB2] =	sst s8  }
0x11: {  	[smem:$0x3FB3] =	sst s9;
	s0 =	simm.s32 @!p0 $0x0  }
0x12: {  	s1 =	sld [smem:$0x3F99];
	s0 =	simm.s32 @p0 $0x1  }
0x13: {  	[smem:$0x3FB4] =	sst s0;
	s0 =	simm.s32 @!p1 $0x0  }
0x14: {  	s2 =	sld [smem:$0x3F98];
	s0 =	simm.s32 @p1 $0x1  }
0x15: {  	[smem:$0x3FB5] =	sst s0;
	s0 =	simm.s32 @!p2 $0x0  }
0x16: {  	s3 =	sld [smem:$0x3FDB];
	s0 =	simm.s32 @p2 $0x1  }
0x17: {  	s4 =	simm.s32 $0x1BF5;
	[smem:$0x3FB7] =	sst s0  }
0x18: {  	s0 =	sld [smem:$0x3F9A];
	_ =	swait.ge [sflag:s4], $0x0  }
0x19: {  	s7 =	sld [smem:$0x3F9B]  }
0x1a: {  	s8 =	sadd.s32 $0xFFFFE003, lr  }
0x1b: {  	s9 =	sadd.s32 $0xFFFFFEF7, lr;
	s5 =	simm.s32 $0xFFFFFFFF;
	p2 =	slt.u32 s8, $0xFFFFF086  }
0x1c: {  	p1 =	slt.u32 s9, $0xF7A;
	s5 =	simm.s32 @!p2 $0x0  }
0x1d: {  	s5 =	simm.s32 @p1 $0x1;
	p0 =	seq.s32 s7, s2  }
0x1e: {  	s7 =	smul.u32 @!p0 $0xF7A, s2;
	p2 =	seq.s32 @!p0 s5, $0x0  }
0x1f: {  	s9 =	smul.u32 $0xF7A, s1;
	s8 =	simm.s32 @!p0 $0x1BF5;
	p2 =	por !p2, p0  }
0x20: {  	[sflag:s8] =	ssyncset.s32 @!p0 $0xFFFFF086;
	s6 =	sadd.s32 @!p0 s3, s7;
	s7 =	simm.s32 @!p0 $0x108  }
0x21: {  	s3 =	sadd.s32 s3, s9;
	s6 =	sadd.s32 @!p0 $0x88, s6;
	s7 =	simm.s32 @p2 $0x1082  }
0x22: {  	[simem:s7], [sflag:s8] =	dma.local @!p0 [hbm:s6], $0xF7A  }
0x23: {  	s9 =	sor.u32 $0xD0000000, s2;
	s6 =	simm.s32 $0x108;
	_ =	swait.ge @!p0 [sflag:s8], $0x0  }
0x24: {  	s3 =	sadd.s32 $0x88, s3;
	s6 =	simm.s32 @!p1 $0x1082;
	[sflag:s4] =	ssyncset.s32 $0xFFFFF086  }
0x25: {  	[simem:s6], [sflag:s4] =	dma.local [hbm:s3], $0xF7A  }
0x26: {  	[smem:$0x3F9B] =	sst s1;
	(tag) =	ssettag s2;
	_ =	strace s9  }
0x27: {  	s1 =	sld [smem:$0x3FAB]  }
0x28: {  	s2 =	sld [smem:$0x3FAC]  }
0x29: {  	s4 =	sld [smem:$0x3FAE]  }
0x2a: {  	p0 =	seq.s32 s5, $0x0;
	s5 =	sld [smem:$0x3FAF]  }
0x2b: {  	s6 =	sld [smem:$0x3FB0]  }
0x2c: {  	s7 =	sld [smem:$0x3FB1]  }
0x2d: {  	s3 =	simm.s32 $0x108;
	s8 =	sld [smem:$0x3FB2]  }
0x2e: {  	s3 =	simm.s32 @!p0 $0x1082;
	s9 =	sld [smem:$0x3FB3]  }
0x2f: {  	lr =	sadd.s32 s0, s3;
	s0 =	sld [smem:$0x3FAA]  }
0x30: {  	s3 =	sld [smem:$0x3FAD]  }
0x31: {  	[smem:$0x3FB6] =	sst s10  }
0x32: {  	s10 =	sld [smem:$0x3FB4];
	_ =	sdelay $0x3  }
0x33: {  	p0 =	seq.s32 s10, $0x1;
	s10 =	sld [smem:$0x3FB6];
	_ =	sdelay $0x3  }
0x34: {  	[smem:$0x3FB6] =	sst s10  }
0x35: {  	s10 =	sld [smem:$0x3FB5];
	_ =	sdelay $0x3  }
0x36: {  	p1 =	seq.s32 s10, $0x1;
	s10 =	sld [smem:$0x3FB6];
	_ =	sdelay $0x3  }
0x37: {  	[smem:$0x3FB6] =	sst s10  }
0x38: {  	s10 =	sld [smem:$0x3FB7]  }
0x39: {  	_ = 	snop;
	(pc) =	sbr.ind lr, $3  }
0x3a: {  	_ = 	snop  }
0x3b: {  	_ = 	snop  }
0x3c: {  	p2 =	seq.s32 s10, $0x1;
	s10 =	sld [smem:$0x3FB6]  }
0x3d: {  	_ =	shalt  }
0x3e: {  	_ =	shalt  }
0x3f: {  	_ =	shalt  }
0x40: {  	_ =	shalt  }
0x41: {  	_ =	shalt  }
0x42: {  	_ =	shalt  }
0x43: {  	_ =	shalt  }
0x44: {  	_ =	shalt  }
0x45: {  	_ =	shalt  }
0x46: {  	_ =	shalt  }
0x47: {  	_ =	shalt  }
0x48: {  	_ =	shalt  }
0x49: {  	_ =	shalt  }
0x4a: {  	_ =	shalt  }
0x4b: {  	_ =	shalt  }
0x4c: {  	_ =	shalt  }
0x4d: {  	_ =	shalt  }
0x4e: {  	_ =	shalt  }
0x4f: {  	_ =	shalt  }
0x50: {  	_ =	shalt  }
0x51: {  	_ =	shalt  }
0x52: {  	_ =	shalt  }
0x53: {  	_ =	shalt  }
0x54: {  	_ =	shalt  }
0x55: {  	_ =	shalt  }
0x56: {  	_ =	shalt  }
0x57: {  	_ =	shalt  }
0x58: {  	_ =	shalt  }
0x59: {  	_ =	shalt  }
0x5a: {  	_ =	shalt  }
0x5b: {  	_ =	shalt  }
0x5c: {  	_ =	shalt  }
0x5d: {  	_ =	shalt  }
0x5e: {  	_ =	shalt  }
0x5f: {  	_ =	shalt  }
0x60: {  	_ =	shalt  }
0x61: {  	_ =	shalt  }
0x62: {  	_ =	shalt  }
0x63: {  	_ =	shalt  }
0x64: {  	_ =	shalt  }
0x65: {  	_ =	shalt  }
0x66: {  	_ =	shalt  }
0x67: {  	_ =	shalt  }
0x68: {  	_ =	shalt  }
0x69: {  	_ =	shalt  }
0x6a: {  	_ =	shalt  }
0x6b: {  	_ =	shalt  }
0x6c: {  	_ =	shalt  }
0x6d: {  	_ =	shalt  }
0x6e: {  	_ =	shalt  }
0x6f: {  	_ =	shalt  }
0x70: {  	_ =	shalt  }
0x71: {  	_ =	shalt  }
0x72: {  	_ =	shalt  }
0x73: {  	_ =	shalt  }
0x74: {  	_ =	shalt  }
0x75: {  	_ =	shalt  }
0x76: {  	_ =	shalt  }
0x77: {  	_ =	shalt  }
0x78: {  	_ =	shalt  }
0x79: {  	_ =	shalt  }
0x7a: {  	_ =	shalt  }
0x7b: {  	_ =	shalt  }
0x7c: {  	_ =	shalt  }
0x7d: {  	_ =	shalt  }
0x7e: {  	_ =	shalt  }
0x7f: {  	_ =	shalt  }
0x80: {  	_ =	shalt  }
0x81: {  	_ =	shalt  }
0x82: {  	_ =	shalt  }
0x83: {  	_ =	shalt  }
0x84: {  	_ =	shalt  }
0x85: {  	_ =	shalt  }
0x86: {  	_ =	shalt  }
0x87: {  	_ =	shalt  }
.Lfunc_end0:
.L_simem_size_0:
called_computation_lowered:
.L_overlay_start_0:
0x88: {  	s2 =	sld [smem:$0x3FD9]  }
0x89: {  	s3 =	sld [smem:$0x3FFE];
	_ =	sdelay $0x1  }
0x8a: {  	s1 =	srdreg.scid  }
0x8b: {  	s0 =	sand.u32 $0x1, s1  }
0x8c: {  	s17 =	sshll.u32 s0, $0xA;
	s2 =	sadd.s32 s3, s2  }
0x8d: {  	s2 =	sadd.s32 s2, s17  }
0x8e: {  	[smem:$0x3FC2] =	sst s2  }
0x8f: {  	_ = 	snop  }
0x90: {  	s2 =	sld [smem:$0x3FD0];
	(tm) =	ssettm $0x1  }
0x91: {  	s18 =	sld [smem:$0x3FFB];
	_ =	sdelay $0x3  }
0x92: {  	_ =	strace s18  }
0x93: {  	s3 =	sld [smem:$0x3FFC];
	_ =	sdelay $0x3  }
0x94: {  	_ =	strace s3  }
0x95: {  	s3 =	sld [smem:$0x3FFD];
	_ =	sdelay $0x3  }
0x96: {  	_ =	strace s3  }
0x97: {  	_ =	strace $0x8FFFFFFF  }
0x98: {  	s19 =	sld [smem:$0x3FDB];
	_ =	sdelay $0x1  }
0x99: {  	s4 =	simm.s32 $_scs_section_size  }
0x9a: {  	s5 =	simm.s32 $_size__tile_overlayer_lowered;
	s6 =	simm.s32 $_tile_overlayer_lowered  }
0x9b: {  	s22 =	simm.s32 $0x1BFF;
	s21 =	sshll.u32 s6, $0x1;
	s3 =	sadd.s32 s4, s19  }
0x9c: {  	s7 =	simm.s32 $0x0;
	s20 =	sshll.u32 s5, $0x1;
	s5 =	sadd.s32 s21, s3  }
0x9d: {  	[timem:s7], [sflag:s22] =	dma.local [hbm:s5], s20  }
0x9e: {  	_ =	swait.ge [sflag:s22], s20  }
0x9f: {  	s4 =	ssub.s32 $0x0, s20;
	[sflag:s22] =	ssyncset.done $0x0  }
0xa0: {  	[sflag:s22] =	ssyncadd.s32 s4;
	_ =	sdelay $0x1  }
0xa1: {  	s23 =	simm.s32 $0x1B8B  }
0xa2: {  	_ =	swait.ge [sflag:s23], $0x1  }
0xa3: {  	[sflag:s23] =	ssyncset.done $0x0  }
0xa4: {  	s25 =	simm.s32 $0x1B8E;
	s24 =	sld [smem:$0x3FFE];
	[sflag:s23] =	ssyncadd.s32 $0xFFFFFFFF  }
0xa5: {  	s26 =	simm.s32 $execute0_lowered;
	[smem:$0x3FD2] =	sst s25  }
0xa6: {  	s5 =	sshll.u32 s26, $0x1;
	_ =	strace $0x80000046;
	[dreg:$0x1] =	wrdreg $0xFFFFFFFF  }
0xa7: {  	s28 =	simm.s32 $_size_execute0_lowered;
	s3 =	sadd.s32 s3, s5;
	[dreg:$0x0] =	wrdreg $0x0  }
0xa8: {  	s5 =	sshll.u32 s28, $0x1;
	[dreg:$0x2] =	wrdreg s3  }
0xa9: {  	[dreg:$0x3] =	wrdreg s5  }
0xaa: {  	[dreg:$0x4] =	wrdreg $0xC0  }
0xab: {  	_ =	task [dreg:s7], $0x5FFFF  }
0xac: {  	[dreg:$0x1] =	wrdreg $0xFFFFFFFF  }
0xad: {  	[dreg:$0x0] =	wrdreg $0x60  }
0xae: {  	[dreg:$0x2] =	wrdreg s24  }
0xaf: {  	[dreg:$0x3] =	wrdreg s2  }
0xb0: {  	[dreg:$0x4] =	wrdreg $0x5000  }
0xb1: {  	[dreg:$0x5] =	wrdreg $0x9  }
0xb2: {  	_ =	task.clear_ibuf [dreg:s7], $0x6FFFF;
	_ =	strace $0x90000046  }
0xb3: {  	s29 =	simm.s32 $0x9;
	_ =	strace $0x80000048  }
0xb4: {  	_ =	swait.ge [sflag:s29], $0x1  }
0xb5: {  	[sflag:s29] =	ssyncadd.s32 $0xFFFFFFFF  }
0xb6: {  	_ =	strace $0x90000048  }
0xb7: {  	_ =	sfence  }
0xb8: {  	s30 =	sld [smem:$0x0];
	_ =	sdelay $0x2  }
0xb9: {  	s31 =	sshll.u32 s1, $0xD;
	s1 =	sshrl.u32 s1, $0x2  }
0xba: {  	s3 =	sand.u32 $0x4000, s31;
	s1 =	sadd.s32 s1, s30  }
0xbb: {  	s0 =	sor.u32 s3, s0;
	s1 =	sshll.u32 s1, $0x11  }
0xbc: {  	s0 =	sor.u32 s1, s0  }
0xbd: {  	s0 =	sadd.s32 $0x8F2B, s0  }
0xbe: {  	[sflag:s0] =	ssyncadd.remote.s32 $0x1  }
0xbf: {  	_ =	sfence.sel $0xFFFF  }
0xc0: {  	[dreg:$0x0] =	wrdreg $0xFFFFFFFF;
	(pc) =	sbr.abs _section_cstart, $3  }
0xc1: {  	[dreg:$0x1] =	wrdreg $0xFFFFFFFF  }
0xc2: {  	_ =	task.clear_ibuf [dreg:s7], $0x2FFFF;
	_ =	strace $0x9FFFFFFF  }
0xc3: {  	(tm) =	ssettm $0x7FFFFFFF  }
tec
execute0_lowered:
.L_overlay_start_1:
0x0: {  	(tag) =	ssettag $0x1  }
0x1: {  	s0 =	rddreg [dreg:$0x0]  }
0x2: {  	s1 =	srdreg.scid;
	s6 =	rddreg [dreg:$0x1]  }
0x3: {  	s2 =	rddreg [dreg:$0x2];
	s11 =	stileid.u32;
	s3 =	simm.s32 $0x0  }
0x4: {  	s17 =	simm.s32 $0x80;
	s28 =	simm.s32 $0x4;
	s29 =	simm.s32 $0x5  }
0x5: {  	s30 =	simm.s32 $0x6;
	s31 =	simm.s32 $0x7;
	s7 =	smul.u32 $0x280, s11  }
0x6: {  	s1 =	sand.u32 $0x1, s1;
	[smem:$0x7FF] =	sst s3;
	s12 =	smul.u32 $0x2710, s11  }
0x7: {  	s4 =	sshll.u32 s1, $0x4;
	_ =	strace $0x80000047;
	s9 =	smul.u32 $0x2800, s1  }
0x8: {  	s18 =	ssub.s32 $0x2, s1;
	s1 =	smul.u32 $0x27100, s1;
	s4 =	sor.u32 s11, s4  }
0x9: {  	s8 =	sshrl.u32 s18, $0x1;
	s5 =	smul.u32 $0x2710, s4;
	s4 =	sadd.s32 $0xBA00, s0  }
0xa: {  	s0 =	ssub.s32 s18, s8;
	s10 =	sadd.s32 s7, s9;
	s9 =	sadd.s32 s7, s2  }
0xb: {  	s23 =	sadd.s32 s12, s1;
	s18 =	simm.s32 $0x100;
	s22 =	sshrl.u32 s10, $0x3  }
0xc: {  	s11 =	smax.u32 s0, $0x1;
	s1 =	sadd.s32 $0x230, s23;
	s24 =	sadd.s32 $0x1E0, s23  }
0xd: {  	s25 =	sadd.s32 $0x190, s23;
	s16 =	sadd.s32 $0x140, s23;
	s23 =	simm.s32 $0x50  }
0xe: {  	s0 =	simm.s32 $0x8;
	s5 =	sshrl.u32 s5, $0x3;
	s10 =	sadd.s32 s6, s22  }
0xf: {  	s1 =	sshrl.u32 s1, $0x3;
	s6 =	sshrl.u32 s24, $0x3;
	s26 =	sshrl.u32 s25, $0x3  }
0x10: {  	s22 =	simm.s32 $0x1;
	s24 =	simm.s32 $0x200;
	s25 =	simm.s32 $0x2  }
0x11: {  	s5 =	sadd.s32 s4, s5;
	s13 =	sadd.s32 s1, s4;
	s14 =	sadd.s32 s6, s4  }
0x12: {  	s15 =	sadd.s32 s26, s4;
	s26 =	simm.s32 $0x3;
	s19 =	sadd.s32 $0xA, s5  }
0x13: {  	s1 =	simm.s32 $0x0;
	s20 =	sadd.s32 $0x14, s5;
	[dreg:$0x4] =	wrdreg s19  }
0x14: {  	s21 =	sadd.s32 $0x1E, s5;
	s12 =	sadd.s32 $0x4D8, s5;
	[dreg:$0x5] =	wrdreg s20  }
0x15: {  	v0 =	vimm.f32 $1.000000000e+00;
	v1 =	vimm.f32 $0.0e+00;
	[dreg:$0x6] =	wrdreg s21;
	s19 =	simm.s32 $0x180;
	s21 =	simm.s32 $0x9  }
.LBB2_1:
0x16: {  	[tilespmem:s3], [sflag:$0x1] =	stream.linear.gather [hbm4b:s5+s3], $0x50, $0x38;
	[tilespmem:$0x780] =	vst v63  }
0x17: {  	s6 =	rddreg [dreg:$0x4]  }
0x18: {  	[tilespmem:s17], [sflag:$0x2] =	stream.linear.gather [hbm4b:s6+s3], $0x50, $0x38;
	[tilespmem:$0x780] =	vst v63  }
0x19: {  	s7 =	rddreg [dreg:$0x5]  }
0x1a: {  	[tilespmem:s18], [sflag:$0x3] =	stream.linear.gather [hbm4b:s7+s3], $0x50, $0x38;
	[tilespmem:$0x780] =	vst v63  }
0x1b: {  	s8 =	rddreg [dreg:$0x6]  }
0x1c: {  	[tilespmem:s19], [sflag:$0x4] =	stream.linear.gather [hbm4b:s8+s3], $0x50, $0x38;
	[tilespmem:$0x780] =	vst v63  }
0x1d: {  	[tilespmem:$0x200] =	vst v0  }
0x1e: {  	[tilespmem:$0x210] =	vst v0  }
0x1f: {  	[tilespmem:$0x220] =	vst v0  }
0x20: {  	[tilespmem:$0x230] =	vst v0  }
0x21: {  	[tilespmem:$0x240] =	vst v0  }
0x22: {  	[tilespmem:$0x280] =	vst v1  }
0x23: {  	[tilespmem:$0x290] =	vst v1  }
0x24: {  	[tilespmem:$0x2A0] =	vst v1  }
0x25: {  	[tilespmem:$0x2B0] =	vst v1  }
0x26: {  	[tilespmem:$0x2C0] =	vst v1  }
0x27: {  	[tilespmem:$0x2D0] =	vst v1  }
0x28: {  	[tilespmem:$0x2E0] =	vst v1  }
0x29: {  	[tilespmem:$0x2F0] =	vst v1  }
0x2a: {  	[tilespmem:$0x300] =	vst v1  }
0x2b: {  	[tilespmem:$0x310] =	vst v1  }
0x2c: {  	[tilespmem:$0x320] =	vst v1  }
0x2d: {  	[tilespmem:$0x330] =	vst v1  }
0x2e: {  	[tilespmem:$0x340] =	vst v1  }
0x2f: {  	[tilespmem:$0x350] =	vst v1  }
0x30: {  	[tilespmem:$0x360] =	vst v1  }
0x31: {  	[tilespmem:$0x370] =	vst v1  }
0x32: {  	[tilespmem:$0x380] =	vst v1  }
0x33: {  	[tilespmem:$0x390] =	vst v1  }
0x34: {  	[tilespmem:$0x3A0] =	vst v1  }
0x35: {  	[tilespmem:$0x3B0] =	vst v1  }
0x36: {  	[tilespmem:$0x3C0] =	vst v1  }
0x37: {  	[tilespmem:$0x3D0] =	vst v1  }
0x38: {  	[tilespmem:$0x3E0] =	vst v1  }
0x39: {  	[tilespmem:$0x3F0] =	vst v1  }
0x3a: {  	[tilespmem:$0x400] =	vst v1  }
0x3b: {  	[tilespmem:$0x410] =	vst v1  }
0x3c: {  	[tilespmem:$0x420] =	vst v1  }
0x3d: {  	[tilespmem:$0x430] =	vst v1  }
0x3e: {  	[tilespmem:$0x440] =	vst v1  }
0x3f: {  	[tilespmem:$0x450] =	vst v1  }
0x40: {  	[tilespmem:$0x460] =	vst v1  }
0x41: {  	[tilespmem:$0x470] =	vst v1  }
0x42: {  	[tilespmem:$0x480] =	vst v1  }
0x43: {  	[tilespmem:$0x490] =	vst v1  }
0x44: {  	[tilespmem:$0x4A0] =	vst v1  }
0x45: {  	[tilespmem:$0x4B0] =	vst v1  }
0x46: {  	[tilespmem:$0x4C0] =	vst v1  }
0x47: {  	[tilespmem:$0x4D0] =	vst v1  }
0x48: {  	[tilespmem:$0x4E0] =	vst v1  }
0x49: {  	s20 =	simm.s32 $0x280;
	[tilespmem:$0x4F0] =	vst v1  }
0x4a: {  	[spmem:s9] =	stream.linear.scatter [tilespmem:s20], [sflag:$0x9], $0x280, $0x38;
	[tilespmem:$0x780] =	vst v63  }
0x4b: {  	_ =	swait.ge [sflag:s21], $0x280  }
0x4c: {  	[sflag:s21] =	ssyncset.done $0x0  }
0x4d: {  	[sflag:s21] =	ssyncadd.s32 $0xFFFFFD80  }
0x4e: {  	[bflag:$0x0] =	sbarrier.arrive $0xFFFF  }
0x4f: {  	_ =	swait.ge [sflag:s22], $0x50  }
0x50: {  	[sflag:s22] =	ssyncset.done $0x0  }
0x51: {  	[sflag:s22] =	ssyncadd.s32 $0xFFFFFFB0  }
0x52: {  	[spmem:s2] =	stream.indirect.scatter.add.f32 [tilespmem:s24], [sflag:$0x5], $0x1, s3, s23, $0xb8;
	[tilespmem:$0x780] =	vst v63  }
0x53: {  	_ =	swait.ge [sflag:s25], $0x50  }
0x54: {  	[sflag:s25] =	ssyncset.done $0x0  }
0x55: {  	[sflag:s25] =	ssyncadd.s32 $0xFFFFFFB0  }
0x56: {  	[spmem:s2] =	stream.indirect.scatter.add.f32 [tilespmem:s24], [sflag:$0x6], $0x1, s17, s23, $0xb8;
	[tilespmem:$0x780] =	vst v63  }
0x57: {  	_ =	swait.ge [sflag:s26], $0x50  }
0x58: {  	[sflag:s26] =	ssyncset.done $0x0  }
0x59: {  	[sflag:s26] =	ssyncadd.s32 $0xFFFFFFB0  }
0x5a: {  	[spmem:s2] =	stream.indirect.scatter.add.f32 [tilespmem:s24], [sflag:$0x7], $0x1, s18, s23, $0xb8;
	[tilespmem:$0x780] =	vst v63  }
0x5b: {  	_ =	swait.ge [sflag:s28], $0x50  }
0x5c: {  	[sflag:s28] =	ssyncset.done $0x0  }
0x5d: {  	[sflag:s28] =	ssyncadd.s32 $0xFFFFFFB0  }
0x5e: {  	[spmem:s2] =	stream.indirect.scatter.add.f32 [tilespmem:s24], [sflag:$0x8], $0x1, s19, s23, $0xb8;
	[tilespmem:$0x780] =	vst v63  }
0x5f: {  	_ =	swait.ge [sflag:s29], $0x50  }
0x60: {  	s7 =	sshrl.u32 s16, $0x3;
	[sflag:s29] =	ssyncset.done $0x0  }
0x61: {  	s6 =	sadd.s32 s4, s7;
	[sflag:s29] =	ssyncadd.s32 $0xFFFFFFB0  }
0x62: {  	[tilespmem:s3], [sflag:$0x1] =	stream.linear.gather [hbm4b:s6+s3], $0x50, $0x38;
	[tilespmem:$0x780] =	vst v63  }
0x63: {  	_ =	swait.ge [sflag:s30], $0x50  }
0x64: {  	[sflag:s30] =	ssyncset.done $0x0  }
0x65: {  	s8 =	sadd.s32 $0x0, s15;
	[sflag:s30] =	ssyncadd.s32 $0xFFFFFFB0  }
0x66: {  	[tilespmem:s17], [sflag:$0x2] =	stream.linear.gather [hbm4b:s8+s3], $0x50, $0x38;
	[tilespmem:$0x780] =	vst v63  }
0x67: {  	_ =	swait.ge [sflag:s31], $0x50  }
0x68: {  	[sflag:s31] =	ssyncset.done $0x0  }
0x69: {  	s20 =	sadd.s32 $0x0, s14;
	[sflag:s31] =	ssyncadd.s32 $0xFFFFFFB0  }
0x6a: {  	[tilespmem:s18], [sflag:$0x3] =	stream.linear.gather [hbm4b:s20+s3], $0x50, $0x38;
	[tilespmem:$0x780] =	vst v63  }
0x6b: {  	_ =	swait.ge [sflag:s0], $0x50  }
0x6c: {  	s7 =	sadd.s32 $0x0, s13;
	[sflag:s0] =	ssyncset.done $0x0  }
0x6d: {  	s6 =	sadd.s32 $0x140, s16;
	s20 =	simm.s32 $0x28;
	[sflag:s0] =	ssyncadd.s32 $0xFFFFFFB0  }
.LBB2_2:
0x6e: {  	[tilespmem:s19], [sflag:$0x4] =	stream.linear.gather [hbm4b:s7+s3], $0x50, $0x38;
	[tilespmem:$0x780] =	vst v63  }
0x6f: {  	s7 =	smov.u32 s20  }
0x70: {  	p0 =	sne.s32 s20, $0x488;
	s20 =	sadd.s32 $0x28, s20;
	_ =	swait.ge [sflag:s22], $0x50  }
0x71: {  	[sflag:s22] =	ssyncset.done $0x0  }
0x72: {  	[sflag:s22] =	ssyncadd.s32 $0xFFFFFFB0  }
0x73: {  	[spmem:s2] =	stream.indirect.scatter.add.f32 [tilespmem:s24], [sflag:$0x5], $0x1, s3, s23, $0xb8;
	[tilespmem:$0x780] =	vst v63  }
0x74: {  	_ =	swait.ge [sflag:s25], $0x50  }
0x75: {  	[sflag:s25] =	ssyncset.done $0x0  }
0x76: {  	[sflag:s25] =	ssyncadd.s32 $0xFFFFFFB0  }
0x77: {  	[spmem:s2] =	stream.indirect.scatter.add.f32 [tilespmem:s24], [sflag:$0x6], $0x1, s17, s23, $0xb8;
	[tilespmem:$0x780] =	vst v63  }
0x78: {  	_ =	swait.ge [sflag:s26], $0x50  }
0x79: {  	[sflag:s26] =	ssyncset.done $0x0  }
0x7a: {  	[sflag:s26] =	ssyncadd.s32 $0xFFFFFFB0  }
0x7b: {  	[spmem:s2] =	stream.indirect.scatter.add.f32 [tilespmem:s24], [sflag:$0x7], $0x1, s18, s23, $0xb8;
	[tilespmem:$0x780] =	vst v63  }
0x7c: {  	_ =	swait.ge [sflag:s28], $0x50  }
0x7d: {  	[sflag:s28] =	ssyncset.done $0x0  }
0x7e: {  	[sflag:s28] =	ssyncadd.s32 $0xFFFFFFB0  }
0x7f: {  	[spmem:s2] =	stream.indirect.scatter.add.f32 [tilespmem:s24], [sflag:$0x8], $0x1, s19, s23, $0xb8;
	[tilespmem:$0x780] =	vst v63  }
0x80: {  	_ =	swait.ge [sflag:s29], $0x50  }
0x81: {  	s8 =	sshrl.u32 s6, $0x3;
	[sflag:s29] =	ssyncset.done $0x0  }
0x82: {  	s8 =	sadd.s32 s4, s8;
	[sflag:s29] =	ssyncadd.s32 $0xFFFFFFB0  }
0x83: {  	[tilespmem:s3], [sflag:$0x1] =	stream.linear.gather [hbm4b:s8+s3], $0x50, $0x38;
	[tilespmem:$0x780] =	vst v63  }
0x84: {  	_ =	swait.ge [sflag:s30], $0x50  }
0x85: {  	[sflag:s30] =	ssyncset.done $0x0  }
0x86: {  	s8 =	sadd.s32 s7, s15;
	[sflag:s30] =	ssyncadd.s32 $0xFFFFFFB0  }
0x87: {  	[tilespmem:s17], [sflag:$0x2] =	stream.linear.gather [hbm4b:s8+s3], $0x50, $0x38;
	[tilespmem:$0x780] =	vst v63  }
0x88: {  	_ =	swait.ge [sflag:s31], $0x50  }
0x89: {  	[sflag:s31] =	ssyncset.done $0x0  }
.Ltmp0:
0x8a: {  	s8 =	sadd.s32 s7, s14;
	[sflag:s31] =	ssyncadd.s32 $0xFFFFFFB0;
	(pc) =	sbr.rel @p0 .LBB2_2-.Ltmp0, $4  }
0x8b: {  	[tilespmem:s18], [sflag:$0x3] =	stream.linear.gather [hbm4b:s8+s3], $0x50, $0x38;
	[tilespmem:$0x780] =	vst v63  }
0x8c: {  	_ =	swait.ge [sflag:s0], $0x50  }
0x8d: {  	[sflag:s0] =	ssyncset.done $0x0  }
0x8e: {  	s6 =	sadd.s32 $0x140, s6;
	s7 =	sadd.s32 s7, s13;
	[sflag:s0] =	ssyncadd.s32 $0xFFFFFFB0  }
0x8f: {  	[tilespmem:s19], [sflag:$0x4] =	stream.linear.gather [hbm4b:s7+s3], $0x50, $0x38;
	[tilespmem:$0x780] =	vst v63  }
0x90: {  	_ =	swait.ge [sflag:s22], $0x50  }
0x91: {  	[sflag:s22] =	ssyncset.done $0x0  }
0x92: {  	[sflag:s22] =	ssyncadd.s32 $0xFFFFFFB0  }
0x93: {  	[spmem:s2] =	stream.indirect.scatter.add.f32 [tilespmem:s24], [sflag:$0x5], $0x1, s3, s23, $0xb8;
	[tilespmem:$0x780] =	vst v63  }
0x94: {  	_ =	swait.ge [sflag:s25], $0x50  }
0x95: {  	[sflag:s25] =	ssyncset.done $0x0  }
0x96: {  	[sflag:s25] =	ssyncadd.s32 $0xFFFFFFB0  }
0x97: {  	[spmem:s2] =	stream.indirect.scatter.add.f32 [tilespmem:s24], [sflag:$0x6], $0x1, s17, s23, $0xb8;
	[tilespmem:$0x780] =	vst v63  }
0x98: {  	_ =	swait.ge [sflag:s26], $0x50  }
0x99: {  	[sflag:s26] =	ssyncset.done $0x0  }
0x9a: {  	[sflag:s26] =	ssyncadd.s32 $0xFFFFFFB0  }
0x9b: {  	[spmem:s2] =	stream.indirect.scatter.add.f32 [tilespmem:s24], [sflag:$0x7], $0x1, s18, s23, $0xb8;
	[tilespmem:$0x780] =	vst v63  }
0x9c: {  	_ =	swait.ge [sflag:s28], $0x50  }
0x9d: {  	[sflag:s28] =	ssyncset.done $0x0  }
0x9e: {  	[sflag:s28] =	ssyncadd.s32 $0xFFFFFFB0  }
0x9f: {  	[spmem:s2] =	stream.indirect.scatter.add.f32 [tilespmem:s24], [sflag:$0x8], $0x1, s19, s23, $0xb8;
	[tilespmem:$0x780] =	vst v63  }
0xa0: {  	_ =	swait.ge [sflag:s29], $0x50  }
0xa1: {  	[sflag:s29] =	ssyncset.done $0x0  }
0xa2: {  	[sflag:s29] =	ssyncadd.s32 $0xFFFFFFB0  }
0xa3: {  	[tilespmem:s3], [sflag:$0x1] =	stream.linear.gather [hbm4b:s12+s3], $0x50, $0x38;
	[tilespmem:$0x780] =	vst v63  }
0xa4: {  	_ =	swait.ge [sflag:s30], $0x50  }
0xa5: {  	[sflag:s30] =	ssyncset.done $0x0  }
0xa6: {  	[sflag:s30] =	ssyncadd.s32 $0xFFFFFFB0  }
0xa7: {  	_ =	swait.ge [sflag:s31], $0x50  }
0xa8: {  	[sflag:s31] =	ssyncset.done $0x0  }
0xa9: {  	[sflag:s31] =	ssyncadd.s32 $0xFFFFFFB0  }
0xaa: {  	_ =	swait.ge [sflag:s0], $0x50  }
0xab: {  	[sflag:s0] =	ssyncset.done $0x0  }
0xac: {  	[sflag:s0] =	ssyncadd.s32 $0xFFFFFFB0  }
0xad: {  	_ =	swait.ge [sflag:s22], $0x50  }
0xae: {  	[sflag:s22] =	ssyncset.done $0x0  }
0xaf: {  	[sflag:s22] =	ssyncadd.s32 $0xFFFFFFB0  }
0xb0: {  	[spmem:s2] =	stream.indirect.scatter.add.f32 [tilespmem:s24], [sflag:$0x9], $0x1, s3, s23, $0xb8;
	[tilespmem:$0x780] =	vst v63  }
0xb1: {  	s6 =	stileid.u32;
	_ =	swait.ge [sflag:s21], $0x50  }
0xb2: {  	s20 =	sshrl.u32 s9, $0x3;
	s1 =	sadd.s32 $0x1, s1;
	[sflag:s21] =	ssyncset.done $0x0  }
0xb3: {  	s6 =	sshll.u32 s6, $0x6;
	p0 =	sne.s32 s1, s11;
	[sflag:s21] =	ssyncadd.s32 $0xFFFFFFB0  }
.Ltmp1:
0xb4: {  	s6 =	sor.u32 $0x1C09, s6;
	[bflag:$0x0] =	sbarrier.arrive $0xFFFF;
	(pc) =	sbr.rel @p0 .LBB2_1-.Ltmp1, $4  }
0xb5: {  	[hbm:s10], [sflag:s6] =	dma.local [spmem:s20], $0x50  }
0xb6: {  	_ =	swait.ge [sflag:s21], $0x50  }
0xb7: {  	[sflag:s21] =	ssyncset.done $0x0  }
0xb8: {  	[sflag:s21] =	ssyncadd.s32 $0xFFFFFFB0  }
0xb9: {  	_ =	sfence.sel $0x180000  }
0xba: {  	[bflag:$0x0] =	sbarrier.arrive $0xFFFF  }
0xbb: {  	_ =	strace $0x90000047  }
0xbc: {  	s0 =	stileid.u32;
	[bflag:$0x2] =	sbarrier.arrive $0xFFFF  }
0xbd: {  	p0 =	sne.s32 s0, $0x0;
	s0 =	rddreg [dreg:$0x3]  }
0xbe: {  	s0 =	sadd.s32 @!p0 $0x100000, s0  }
0xbf: {  	[sflag:s0] =	ssyncadd.tile.s32 @!p0 $0x1;
	_ =	shalt  }
.Lfunc_end2:
_tile_overlayer_lowered:
.L_overlay_start_2:
0xc0: {  	(tag) =	ssettag $0x2  }
0xc1: {  	s0 =	rddreg [dreg:$0x0];
	s2 =	stileid.u32  }
0xc2: {  	s1 =	rddreg [dreg:$0x1];
	p0 =	sne.s32 s2, $0x0  }
0xc3: {  	s3 =	rddreg [dreg:$0x2];
	[bflag:$0x3] =	sbarrier.arrive $0xFFFF;
	s2 =	simm.s32 @!p0 $0x1C09  }
0xc4: {  	[timem:s3], [sflag:s2] =	dma.local @!p0 [hbm:s0], s1  }
0xc5: {  	s0 =	simm.s32 @!p0 $0x9  }
0xc6: {  	_ =	swait.ge @!p0 [sflag:s0], s1  }
0xc7: {  	s1 =	ssub.s32 @!p0 $0x0, s1;
	[sflag:s0] =	ssyncset.done @!p0 $0x0  }
0xc8: {  	[sflag:s0] =	ssyncadd.s32 @!p0 s1  }
0xc9: {  	[bflag:$0x3] =	sbarrier.arrive $0xFFFF  }
0xca: {  	_ =	shalt  }

</sc_bundles>
